<compile_context>
chip_gen: v7x
topology: tpu7x:2x2x1
jax: 0.10.2.dev20260603
libtpu: 0.0.44.dev20260713+nightly
codegen_flags: <defaults>
</compile_context>

<pallas_src>
import functools

import jax
import jax.numpy as jnp
from jax import lax
from jax.experimental import pallas as pl
from jax.experimental.pallas import tpu as pltpu
from jax.experimental.pallas import tpu_sc as plsc

N = 10000
D = 128
E = 320000
G = 16

NC = 2
NS = 16
NW = NC * NS
K = 80
C = 125
EWP = C * K
RPT = 632
N_PAD = NS * RPT

_f32 = jnp.float32


def _sc_agg_body(h_hbm, src_hbm, dst_hbm, zeros_hbm, out_hbm,
                 idx_s, idx_d, rb0, rb1, acc, sem0, sem1):
    c = lax.axis_index("c")
    s = lax.axis_index("s")
    w = c * NS + s

    pltpu.sync_copy(src_hbm.at[w], idx_s)
    pltpu.sync_copy(dst_hbm.at[w], idx_d)
    @pl.when(c == 0)
    def _():
        @pl.when(s < NS - 1)
        def _():
            pltpu.sync_copy(h_hbm.at[pl.ds(s * RPT, RPT)],
                            acc.at[pl.ds(s * RPT, RPT)])

        @pl.when(s == NS - 1)
        def _():
            last = N - (NS - 1) * RPT
            pltpu.sync_copy(h_hbm.at[pl.ds((NS - 1) * RPT, last)],
                            acc.at[pl.ds((NS - 1) * RPT, last)])
            pltpu.sync_copy(zeros_hbm.at[pl.ds(0, N_PAD - N)],
                            acc.at[pl.ds(N, N_PAD - N)])

    @pl.when(c == 1)
    def _():
        pltpu.sync_copy(zeros_hbm, acc.at[pl.ds(s * RPT, RPT)])

    plsc.subcore_barrier()

    def gather(j, rb, sem):
        pltpu.async_copy(h_hbm.at[idx_s.at[pl.ds(j * K, K)]], rb, sem)

    def gwait(rb, sem):
        pltpu.make_async_copy(h_hbm.at[idx_s.at[pl.ds(0, K)]], rb, sem).wait()

    gather(0, rb0, sem0)

    def pair(p, carry):
        gather(2 * p + 1, rb1, sem1)
        gwait(rb0, sem0)
        pltpu.sync_copy(rb0, acc.at[idx_d.at[2 * p]], add=True)
        gather(2 * p + 2, rb0, sem0)
        gwait(rb1, sem1)
        pltpu.sync_copy(rb1, acc.at[idx_d.at[2 * p + 1]], add=True)
        return carry

    lax.fori_loop(0, (C - 1) // 2, pair, 0)
    gwait(rb0, sem0)
    pltpu.sync_copy(rb0, acc.at[idx_d.at[C - 1]], add=True)
    plsc.subcore_barrier()
    pltpu.sync_copy(acc.at[pl.ds(s * RPT, RPT)],
                    out_hbm.at[c, pl.ds(s * RPT, RPT)])


_sc_agg = functools.partial(
    pl.kernel,
    mesh=plsc.VectorSubcoreMesh(core_axis_name="c", subcore_axis_name="s"),
    out_type=jax.ShapeDtypeStruct((NC, N_PAD, D), _f32),
    scratch_types=[
        pltpu.VMEM((EWP,), jnp.int32),
        pltpu.VMEM((C, K), jnp.int32),
        pltpu.VMEM((K, D), _f32),
        pltpu.VMEM((K, D), _f32),
        pltpu.VMEM_SHARED((N_PAD, D), _f32),
        pltpu.SemaphoreType.DMA,
        pltpu.SemaphoreType.DMA,
    ],
)(_sc_agg_body)


_BLK = 2000
_NB = N // _BLK


_DN_NT = (((1,), (1,)), ((), ()))


def _proj_body(x_ref, w_ref, b_ref, o_ref):
    z = lax.dot_general(x_ref[...], w_ref[...], _DN_NT,
                        preferred_element_type=_f32,
                        precision=lax.Precision.HIGHEST) + b_ref[...]
    o_ref[...] = jnp.maximum(z, 0.0)


def _layer_body(p_ref, w_ref, b_ref, g_ref, be_ref, o_ref):
    t = p_ref[0] + p_ref[1]
    z = lax.dot_general(t, w_ref[...], _DN_NT,
                        preferred_element_type=_f32,
                        precision=lax.Precision.HIGHEST) + b_ref[...]
    z = jnp.maximum(z, 0.0)
    mu = jnp.mean(z, axis=-1, keepdims=True)
    var = jnp.mean((z - mu) ** 2, axis=-1, keepdims=True)
    o_ref[...] = (z - mu) / jnp.sqrt(var + 1e-5) * g_ref[...] + be_ref[...]


def _final_body(p_ref, ids_ref, w_ref, b_ref, g_ref, be_ref,
                o_ref, sums, cnts):
    step = pl.program_id(0)

    @pl.when(step == 0)
    def _():
        sums[...] = jnp.zeros((G, D), _f32)
        cnts[...] = jnp.zeros((G, D), _f32)

    t = p_ref[0] + p_ref[1]
    z = lax.dot_general(t, w_ref[...], _DN_NT,
                        preferred_element_type=_f32,
                        precision=lax.Precision.HIGHEST) + b_ref[...]
    z = jnp.maximum(z, 0.0)
    mu = jnp.mean(z, axis=-1, keepdims=True)
    var = jnp.mean((z - mu) ** 2, axis=-1, keepdims=True)
    ln = (z - mu) / jnp.sqrt(var + 1e-5) * g_ref[...] + be_ref[...]

    ids = ids_ref[...]
    onehot = (lax.broadcasted_iota(jnp.int32, (_BLK, G), 1) == ids).astype(_f32)
    dn = (((0,), (0,)), ((), ()))
    sums[...] += lax.dot_general(onehot, ln, dn,
                                 preferred_element_type=_f32,
                                 precision=lax.Precision.HIGHEST)
    cnts[...] += lax.dot_general(onehot, jnp.ones((_BLK, D), _f32), dn,
                                 preferred_element_type=_f32,
                                 precision=lax.Precision.HIGHEST)
    o_ref[...] = sums[...] / jnp.maximum(cnts[...], 1.0)


_row_spec = pl.BlockSpec((_BLK, D), lambda i: (i, 0))
_p_spec = pl.BlockSpec((NC, _BLK, D), lambda i: (0, i, 0))
_w_spec = pl.BlockSpec((D, D), lambda i: (0, 0))
_v_spec = pl.BlockSpec((1, D), lambda i: (0, 0))

_proj = pl.pallas_call(
    _proj_body,
    grid=(_NB,),
    in_specs=[_row_spec, _w_spec, _v_spec],
    out_specs=_row_spec,
    out_shape=jax.ShapeDtypeStruct((N, D), _f32),
)

_layer = pl.pallas_call(
    _layer_body,
    grid=(_NB,),
    in_specs=[_p_spec, _w_spec, _v_spec, _v_spec, _v_spec],
    out_specs=_row_spec,
    out_shape=jax.ShapeDtypeStruct((N, D), _f32),
)

_final = pl.pallas_call(
    _final_body,
    grid=(_NB,),
    in_specs=[_p_spec, pl.BlockSpec((_BLK, 1), lambda i: (i, 0)),
              _w_spec, _v_spec, _v_spec, _v_spec],
    out_specs=pl.BlockSpec((G, D), lambda i: (0, 0)),
    out_shape=jax.ShapeDtypeStruct((G, D), _f32),
    scratch_shapes=[pltpu.VMEM((G, D), _f32), pltpu.VMEM((G, D), _f32)],
)


def kernel(x, edge_index, batch_ids, num_graphs, W_in, b_in,
           W1, b1, g1, be1, W2, b2, g2, be2, W3, b3, g3, be3):
    src3 = edge_index[0].reshape(NW, EWP)
    dst3 = edge_index[1].reshape(NW, C, K)
    zeros = jnp.zeros((RPT, D), _f32)
    ids2 = batch_ids.reshape(N, 1)

    h = _proj(x, W_in, b_in.reshape(1, D))
    for (W, b, gm, be) in ((W1, b1, g1, be1), (W2, b2, g2, be2)):
        p = _sc_agg(h, src3, dst3, zeros)
        h = _layer(p, W, b.reshape(1, D), gm.reshape(1, D),
                   be.reshape(1, D))
    p = _sc_agg(h, src3, dst3, zeros)
    return _final(p, ids2, W3, b3.reshape(1, D), g3.reshape(1, D),
                  be3.reshape(1, D))

# --- scband reference (transcript-rebuilt; emitter-appended) ---
"""Pipeline reference for scband-layer-ginencoder-8272107012813 (READ-ONLY COPY).

The authoritative reference and input builder live on the scoring server;
editing this copy changes nothing except your own understanding.
"""

import jax, jax.numpy as jnp
import numpy as np

N = 10000
E = 320000
D = 128
G = 16


def _layer_norm(h, gamma, beta):
    mu = jnp.mean(h, axis=-1, keepdims=True)
    var = jnp.var(h, axis=-1, keepdims=True)
    return (h - mu) / jnp.sqrt(var + 1e-5) * gamma + beta


def setup_inputs(seed: int = 0) -> dict:
    key = jax.random.key(seed)
    ks = jax.random.split(key, 20)
    x = jax.random.normal(ks[0], (N, D), dtype=jnp.float32)
    edge_index = jax.random.randint(ks[1], (2, E), 0, N, dtype=jnp.int32)
    batch_ids = jnp.sort(jax.random.randint(ks[2], (N,), 0, G, dtype=jnp.int32))
    inp = {
        "x": x,
        "edge_index": edge_index,
        "batch_ids": batch_ids,
        "num_graphs": G,
        "W_in": jax.random.normal(ks[3], (D, D), dtype=jnp.float32) * 0.05,
        "b_in": jnp.zeros((D,), dtype=jnp.float32),
    }
    for l in range(3):
        inp[f"W{l+1}"] = jax.random.normal(ks[4 + 4 * l], (D, D), dtype=jnp.float32) * 0.05
        inp[f"b{l+1}"] = jnp.zeros((D,), dtype=jnp.float32)
        inp[f"g{l+1}"] = jnp.ones((D,), dtype=jnp.float32)
        inp[f"be{l+1}"] = jnp.zeros((D,), dtype=jnp.float32)
    return inp


def reference(x, edge_index, batch_ids, num_graphs, W_in, b_in,
              W1, b1, g1, be1, W2, b2, g2, be2, W3, b3, g3, be3):
    # proj_in + ReLU (dropout p=0.0 -> identity)
    h = jax.nn.relu(x @ W_in.T + b_in)
    src = edge_index[0]
    dst = edge_index[1]
    layers = [(W1, b1, g1, be1), (W2, b2, g2, be2), (W3, b3, g3, be3)]
    for (W, b, gamma, beta) in layers:
        # GINConv: mlp((1 + eps) * h + sum_{j in N(i)} h_j), eps = 0 (train_eps=False)
        agg = jax.ops.segment_sum(h[src], dst, num_segments=N)
        h = h + agg
        h = jax.nn.relu(h @ W.T + b)  # gin_mlp_layers=1: Linear + ReLU
        h = _layer_norm(h, gamma, beta)
    # global mean pool per graph
    counts = jax.ops.segment_sum(jnp.ones((N,), dtype=h.dtype), batch_ids, num_segments=G)
    sums = jax.ops.segment_sum(h, batch_ids, num_segments=G)
    g = sums / jnp.maximum(counts, 1.0)[:, None]
    g = g + jnp.zeros((), dtype=g.dtype) * num_graphs
    return g

if __name__ == "__main__":
    import jax
    _d = setup_inputs()
    print(jax.jit(kernel)(*tuple(_d.values())))

</pallas_src>

<mosaic_0001>
#map = affine_map<(d0, d1) -> (0, 0)>
#map1 = affine_map<(d0, d1) -> (0, 0, 0)>
module attributes {stable_mosaic.version = 14 : i64} {
  func.func @_sc_agg_body(%arg0: i32, %arg1: i32, %arg2: memref<10000x128xf32, #tpu.memory_space<hbm>>, %arg3: memref<32x10000xi32, #tpu.memory_space<hbm>>, %arg4: memref<32x125x80xi32, #tpu.memory_space<hbm>>, %arg5: memref<632x128xf32, #tpu.memory_space<hbm>>, %arg6: memref<2x10112x128xf32, #tpu.memory_space<hbm>>, %arg7: memref<10000xi32, #tpu.memory_space<vmem>>, %arg8: memref<125x80xi32, #tpu.memory_space<vmem>>, %arg9: memref<80x128xf32, #tpu.memory_space<vmem>>, %arg10: memref<80x128xf32, #tpu.memory_space<vmem>>, %arg11: memref<10112x128xf32, #tpu.memory_space<vmem_shared>>, %arg12: memref<!tpu.dma_semaphore, #tpu.memory_space<semaphore_mem>>, %arg13: memref<!tpu.dma_semaphore, #tpu.memory_space<semaphore_mem>>) attributes {dimension_semantics = [#tpu.dimension_semantics<core_parallel>, #tpu.dimension_semantics<subcore_parallel>], iteration_bounds = array<i64: 2, 16>, scalar_prefetch = 0 : i64, scratch_operands = 7 : i64, tpu.core_type = #tpu.core_type<sc_vector_subcore>, window_params = [{transform_indices = #map}, {transform_indices = #map}, {transform_indices = #map1}, {transform_indices = #map}, {transform_indices = #map1}]} {
    %mul3A = arith.constant 16 : i32
    %mul3A_0 = arith.muli %arg0, %mul3A : i32
    %add3A = arith.addi %mul3A_0, %arg1 : i32
    "tpu.region"() ({
      %run_scoped3A_26 = tpu.sem_alloc : memref<!tpu.dma_semaphore, #tpu.memory_space<semaphore_mem>>
      %dma_start3A_27 = arith.constant 0 : i32
      %dma_start3A_28 = tpu.memref_slice %arg3[%add3A, %dma_start3A_27] : memref<32x10000xi32, #tpu.memory_space<hbm>> -> memref<1x10000xi32, #tpu.memory_space<hbm>>
      %dma_start3A_29 = tpu.memref_squeeze %dma_start3A_28 : memref<1x10000xi32, #tpu.memory_space<hbm>> -> memref<10000xi32, #tpu.memory_space<hbm>>
      %dma_start3A_30 = arith.constant 0 : i32
      %dma_start3A_31 = tpu.memref_slice %arg3[%add3A, %dma_start3A_30] : memref<32x10000xi32, #tpu.memory_space<hbm>> -> memref<1x10000xi32, #tpu.memory_space<hbm>>
      %dma_start3A_32 = tpu.memref_squeeze %dma_start3A_31 : memref<1x10000xi32, #tpu.memory_space<hbm>> -> memref<10000xi32, #tpu.memory_space<hbm>>
      tpu.enqueue_dma source(%dma_start3A_32 : memref<10000xi32, #tpu.memory_space<hbm>>) target(%arg7 : memref<10000xi32, #tpu.memory_space<vmem>>) target_semaphore(%run_scoped3A_26 : memref<!tpu.dma_semaphore, #tpu.memory_space<semaphore_mem>>)
      %dma_wait3A_33 = arith.constant 0 : i32
      %dma_wait3A_34 = tpu.memref_slice %arg3[%add3A, %dma_wait3A_33] : memref<32x10000xi32, #tpu.memory_space<hbm>> -> memref<1x10000xi32, #tpu.memory_space<hbm>>
      %dma_wait3A_35 = tpu.memref_squeeze %dma_wait3A_34 : memref<1x10000xi32, #tpu.memory_space<hbm>> -> memref<10000xi32, #tpu.memory_space<hbm>>
      %dma_wait3A_36 = arith.constant 0 : i32
      %dma_wait3A_37 = tpu.memref_slice %arg3[%add3A, %dma_wait3A_36] : memref<32x10000xi32, #tpu.memory_space<hbm>> -> memref<1x10000xi32, #tpu.memory_space<hbm>>
      %dma_wait3A_38 = tpu.memref_squeeze %dma_wait3A_37 : memref<1x10000xi32, #tpu.memory_space<hbm>> -> memref<10000xi32, #tpu.memory_space<hbm>>
      tpu.wait_dma2 semaphore(%run_scoped3A_26 : memref<!tpu.dma_semaphore, #tpu.memory_space<semaphore_mem>>) src(%dma_wait3A_38 : memref<10000xi32, #tpu.memory_space<hbm>>) dst(%arg7 : memref<10000xi32, #tpu.memory_space<vmem>>)
      tpu.yield
    }) : () -> ()
    "tpu.region"() ({
      %run_scoped3A_26 = tpu.sem_alloc : memref<!tpu.dma_semaphore, #tpu.memory_space<semaphore_mem>>
      %dma_start3A_27 = arith.constant 0 : i32
      %dma_start3A_28 = arith.constant 0 : i32
      %dma_start3A_29 = tpu.memref_slice %arg4[%add3A, %dma_start3A_27, %dma_start3A_28] : memref<32x125x80xi32, #tpu.memory_space<hbm>> -> memref<1x125x80xi32, #tpu.memory_space<hbm>>
      %dma_start3A_30 = tpu.memref_squeeze %dma_start3A_29 : memref<1x125x80xi32, #tpu.memory_space<hbm>> -> memref<125x80xi32, #tpu.memory_space<hbm>>
      %dma_start3A_31 = arith.constant 0 : i32
      %dma_start3A_32 = arith.constant 0 : i32
      %dma_start3A_33 = tpu.memref_slice %arg4[%add3A, %dma_start3A_31, %dma_start3A_32] : memref<32x125x80xi32, #tpu.memory_space<hbm>> -> memref<1x125x80xi32, #tpu.memory_space<hbm>>
      %dma_start3A_34 = tpu.memref_squeeze %dma_start3A_33 : memref<1x125x80xi32, #tpu.memory_space<hbm>> -> memref<125x80xi32, #tpu.memory_space<hbm>>
      tpu.enqueue_dma source(%dma_start3A_34 : memref<125x80xi32, #tpu.memory_space<hbm>>) target(%arg8 : memref<125x80xi32, #tpu.memory_space<vmem>>) target_semaphore(%run_scoped3A_26 : memref<!tpu.dma_semaphore, #tpu.memory_space<semaphore_mem>>)
      %dma_wait3A_35 = arith.constant 0 : i32
      %dma_wait3A_36 = arith.constant 0 : i32
      %dma_wait3A_37 = tpu.memref_slice %arg4[%add3A, %dma_wait3A_35, %dma_wait3A_36] : memref<32x125x80xi32, #tpu.memory_space<hbm>> -> memref<1x125x80xi32, #tpu.memory_space<hbm>>
      %dma_wait3A_38 = tpu.memref_squeeze %dma_wait3A_37 : memref<1x125x80xi32, #tpu.memory_space<hbm>> -> memref<125x80xi32, #tpu.memory_space<hbm>>
      %dma_wait3A_39 = arith.constant 0 : i32
      %dma_wait3A_40 = arith.constant 0 : i32
      %dma_wait3A_41 = tpu.memref_slice %arg4[%add3A, %dma_wait3A_39, %dma_wait3A_40] : memref<32x125x80xi32, #tpu.memory_space<hbm>> -> memref<1x125x80xi32, #tpu.memory_space<hbm>>
      %dma_wait3A_42 = tpu.memref_squeeze %dma_wait3A_41 : memref<1x125x80xi32, #tpu.memory_space<hbm>> -> memref<125x80xi32, #tpu.memory_space<hbm>>
      tpu.wait_dma2 semaphore(%run_scoped3A_26 : memref<!tpu.dma_semaphore, #tpu.memory_space<semaphore_mem>>) src(%dma_wait3A_42 : memref<125x80xi32, #tpu.memory_space<hbm>>) dst(%arg8 : memref<125x80xi32, #tpu.memory_space<vmem>>)
      tpu.yield
    }) : () -> ()
    %eq3A = arith.constant 0 : i32
    %eq3A_1 = arith.cmpi eq, %arg0, %eq3A : i32
    %convert_element_type3A = arith.extui %eq3A_1 : i1 to i32
    %cond3A = arith.constant 0 : i32
    %cond3A_2 = arith.cmpi ne, %convert_element_type3A, %cond3A : i32
    scf.if %cond3A_2 {
      %lt3A = arith.constant 15 : i32
      %lt3A_26 = arith.cmpi slt, %arg1, %lt3A : i32
      %convert_element_type3A_27 = arith.extui %lt3A_26 : i1 to i32
      %cond3A_28 = arith.constant 0 : i32
      %cond3A_29 = arith.cmpi ne, %convert_element_type3A_27, %cond3A_28 : i32
      scf.if %cond3A_29 {
        %mul3A_35 = arith.constant 632 : i32
        %mul3A_36 = arith.muli %arg1, %mul3A_35 : i32
        %mul3A_37 = arith.constant 632 : i32
        %mul3A_38 = arith.muli %arg1, %mul3A_37 : i32
        "tpu.region"() ({
          %run_scoped3A_39 = tpu.sem_alloc : memref<!tpu.dma_semaphore, #tpu.memory_space<semaphore_mem>>
          %dma_start3A_40 = arith.constant 0 : i32
          %dma_start3A_41 = tpu.memref_slice %arg11[%mul3A_38, %dma_start3A_40] : memref<10112x128xf32, #tpu.memory_space<vmem_shared>> -> memref<632x128xf32, #tpu.memory_space<vmem_shared>>
          %dma_start3A_42 = arith.constant 0 : i32
          %dma_start3A_43 = tpu.memref_slice %arg2[%mul3A_36, %dma_start3A_42] : memref<10000x128xf32, #tpu.memory_space<hbm>> -> memref<632x128xf32, #tpu.memory_space<hbm>>
          tpu.enqueue_dma source(%dma_start3A_43 : memref<632x128xf32, #tpu.memory_space<hbm>>) target(%dma_start3A_41 : memref<632x128xf32, #tpu.memory_space<vmem_shared>>) target_semaphore(%run_scoped3A_39 : memref<!tpu.dma_semaphore, #tpu.memory_space<semaphore_mem>>)
          %dma_wait3A_44 = arith.constant 0 : i32
          %dma_wait3A_45 = tpu.memref_slice %arg11[%mul3A_38, %dma_wait3A_44] : memref<10112x128xf32, #tpu.memory_space<vmem_shared>> -> memref<632x128xf32, #tpu.memory_space<vmem_shared>>
          %dma_wait3A_46 = arith.constant 0 : i32
          %dma_wait3A_47 = tpu.memref_slice %arg2[%mul3A_36, %dma_wait3A_46] : memref<10000x128xf32, #tpu.memory_space<hbm>> -> memref<632x128xf32, #tpu.memory_space<hbm>>
          tpu.wait_dma2 semaphore(%run_scoped3A_39 : memref<!tpu.dma_semaphore, #tpu.memory_space<semaphore_mem>>) src(%dma_wait3A_47 : memref<632x128xf32, #tpu.memory_space<hbm>>) dst(%dma_wait3A_45 : memref<632x128xf32, #tpu.memory_space<vmem_shared>>)
          tpu.yield
        }) : () -> ()
      } else {
      }
      %eq3A_30 = arith.constant 15 : i32
      %eq3A_31 = arith.cmpi eq, %arg1, %eq3A_30 : i32
      %convert_element_type3A_32 = arith.extui %eq3A_31 : i1 to i32
      %cond3A_33 = arith.constant 0 : i32
      %cond3A_34 = arith.cmpi ne, %convert_element_type3A_32, %cond3A_33 : i32
      scf.if %cond3A_34 {
        "tpu.region"() ({
          %run_scoped3A_35 = tpu.sem_alloc : memref<!tpu.dma_semaphore, #tpu.memory_space<semaphore_mem>>
          %dma_start3A_36 = arith.constant 9480 : i32
          %dma_start3A_37 = arith.constant 0 : i32
          %dma_start3A_38 = tpu.memref_slice %arg11[%dma_start3A_36, %dma_start3A_37] : memref<10112x128xf32, #tpu.memory_space<vmem_shared>> -> memref<520x128xf32, #tpu.memory_space<vmem_shared>>
          %dma_start3A_39 = arith.constant 9480 : i32
          %dma_start3A_40 = arith.constant 0 : i32
          %dma_start3A_41 = tpu.memref_slice %arg2[%dma_start3A_39, %dma_start3A_40] : memref<10000x128xf32, #tpu.memory_space<hbm>> -> memref<520x128xf32, #tpu.memory_space<hbm>>
          tpu.enqueue_dma source(%dma_start3A_41 : memref<520x128xf32, #tpu.memory_space<hbm>>) target(%dma_start3A_38 : memref<520x128xf32, #tpu.memory_space<vmem_shared>>) target_semaphore(%run_scoped3A_35 : memref<!tpu.dma_semaphore, #tpu.memory_space<semaphore_mem>>)
          %dma_wait3A_42 = arith.constant 9480 : i32
          %dma_wait3A_43 = arith.constant 0 : i32
          %dma_wait3A_44 = tpu.memref_slice %arg11[%dma_wait3A_42, %dma_wait3A_43] : memref<10112x128xf32, #tpu.memory_space<vmem_shared>> -> memref<520x128xf32, #tpu.memory_space<vmem_shared>>
          %dma_wait3A_45 = arith.constant 9480 : i32
          %dma_wait3A_46 = arith.constant 0 : i32
          %dma_wait3A_47 = tpu.memref_slice %arg2[%dma_wait3A_45, %dma_wait3A_46] : memref<10000x128xf32, #tpu.memory_space<hbm>> -> memref<520x128xf32, #tpu.memory_space<hbm>>
          tpu.wait_dma2 semaphore(%run_scoped3A_35 : memref<!tpu.dma_semaphore, #tpu.memory_space<semaphore_mem>>) src(%dma_wait3A_47 : memref<520x128xf32, #tpu.memory_space<hbm>>) dst(%dma_wait3A_44 : memref<520x128xf32, #tpu.memory_space<vmem_shared>>)
          tpu.yield
        }) : () -> ()
        "tpu.region"() ({
          %run_scoped3A_35 = tpu.sem_alloc : memref<!tpu.dma_semaphore, #tpu.memory_space<semaphore_mem>>
          %dma_start3A_36 = arith.constant 10000 : i32
          %dma_start3A_37 = arith.constant 0 : i32
          %dma_start3A_38 = tpu.memref_slice %arg11[%dma_start3A_36, %dma_start3A_37] : memref<10112x128xf32, #tpu.memory_space<vmem_shared>> -> memref<112x128xf32, #tpu.memory_space<vmem_shared>>
          %dma_start3A_39 = arith.constant 0 : i32
          %dma_start3A_40 = arith.constant 0 : i32
          %dma_start3A_41 = tpu.memref_slice %arg5[%dma_start3A_39, %dma_start3A_40] : memref<632x128xf32, #tpu.memory_space<hbm>> -> memref<112x128xf32, #tpu.memory_space<hbm>>
          tpu.enqueue_dma source(%dma_start3A_41 : memref<112x128xf32, #tpu.memory_space<hbm>>) target(%dma_start3A_38 : memref<112x128xf32, #tpu.memory_space<vmem_shared>>) target_semaphore(%run_scoped3A_35 : memref<!tpu.dma_semaphore, #tpu.memory_space<semaphore_mem>>)
          %dma_wait3A_42 = arith.constant 10000 : i32
          %dma_wait3A_43 = arith.constant 0 : i32
          %dma_wait3A_44 = tpu.memref_slice %arg11[%dma_wait3A_42, %dma_wait3A_43] : memref<10112x128xf32, #tpu.memory_space<vmem_shared>> -> memref<112x128xf32, #tpu.memory_space<vmem_shared>>
          %dma_wait3A_45 = arith.constant 0 : i32
          %dma_wait3A_46 = arith.constant 0 : i32
          %dma_wait3A_47 = tpu.memref_slice %arg5[%dma_wait3A_45, %dma_wait3A_46] : memref<632x128xf32, #tpu.memory_space<hbm>> -> memref<112x128xf32, #tpu.memory_space<hbm>>
          tpu.wait_dma2 semaphore(%run_scoped3A_35 : memref<!tpu.dma_semaphore, #tpu.memory_space<semaphore_mem>>) src(%dma_wait3A_47 : memref<112x128xf32, #tpu.memory_space<hbm>>) dst(%dma_wait3A_44 : memref<112x128xf32, #tpu.memory_space<vmem_shared>>)
          tpu.yield
        }) : () -> ()
      } else {
      }
    } else {
    }
    %eq3A_3 = arith.constant 1 : i32
    %eq3A_4 = arith.cmpi eq, %arg0, %eq3A_3 : i32
    %convert_element_type3A_5 = arith.extui %eq3A_4 : i1 to i32
    %cond3A_6 = arith.constant 0 : i32
    %cond3A_7 = arith.cmpi ne, %convert_element_type3A_5, %cond3A_6 : i32
    scf.if %cond3A_7 {
      %mul3A_26 = arith.constant 632 : i32
      %mul3A_27 = arith.muli %arg1, %mul3A_26 : i32
      "tpu.region"() ({
        %run_scoped3A_28 = tpu.sem_alloc : memref<!tpu.dma_semaphore, #tpu.memory_space<semaphore_mem>>
        %dma_start3A_29 = arith.constant 0 : i32
        %dma_start3A_30 = tpu.memref_slice %arg11[%mul3A_27, %dma_start3A_29] : memref<10112x128xf32, #tpu.memory_space<vmem_shared>> -> memref<632x128xf32, #tpu.memory_space<vmem_shared>>
        tpu.enqueue_dma source(%arg5 : memref<632x128xf32, #tpu.memory_space<hbm>>) target(%dma_start3A_30 : memref<632x128xf32, #tpu.memory_space<vmem_shared>>) target_semaphore(%run_scoped3A_28 : memref<!tpu.dma_semaphore, #tpu.memory_space<semaphore_mem>>)
        %dma_wait3A_31 = arith.constant 0 : i32
        %dma_wait3A_32 = tpu.memref_slice %arg11[%mul3A_27, %dma_wait3A_31] : memref<10112x128xf32, #tpu.memory_space<vmem_shared>> -> memref<632x128xf32, #tpu.memory_space<vmem_shared>>
        tpu.wait_dma2 semaphore(%run_scoped3A_28 : memref<!tpu.dma_semaphore, #tpu.memory_space<semaphore_mem>>) src(%arg5 : memref<632x128xf32, #tpu.memory_space<hbm>>) dst(%dma_wait3A_32 : memref<632x128xf32, #tpu.memory_space<vmem_shared>>)
        tpu.yield
      }) : () -> ()
    } else {
    }
    %barrier3A = arith.constant 0 : index
    tpu.barrier barrier_id(%barrier3A)
    %dma_start3A = arith.constant 0 : i32
    %dma_start3A_8 = tpu.memref_slice %arg7[%dma_start3A] : memref<10000xi32, #tpu.memory_space<vmem>> -> memref<80xi32, #tpu.memory_space<vmem>>
    %dma_start3A_9 = arith.constant 0 : i32
    %dma_start3A_10 = arith.constant 0 : i32
    %dma_start3A_11 = tpu.memref_slice %arg2[%dma_start3A_9, %dma_start3A_10] : memref<10000x128xf32, #tpu.memory_space<hbm>> -> memref<10000x128xf32, #tpu.memory_space<hbm>>
    tpu.enqueue_indirect_dma source(%dma_start3A_11 : memref<10000x128xf32, #tpu.memory_space<hbm>>) target(%arg9 : memref<80x128xf32, #tpu.memory_space<vmem>>) offsets(%dma_start3A_8 : memref<80xi32, #tpu.memory_space<vmem>>) semaphore(%arg12 : memref<!tpu.dma_semaphore, #tpu.memory_space<semaphore_mem>>)
    %scan3A = arith.constant 0 : i32
    %scan3A_12 = arith.constant 0 : i32
    %scan3A_13 = arith.constant 62 : i32
    %scan3A_14 = arith.addi %scan3A_12, %scan3A_13 : i32
    %scan3A_15 = arith.constant 1 : i32
    scf.for %scan3A_26 = %scan3A_12 to %scan3A_14 step %scan3A_15  : i32 {
      %mul3A_27 = arith.constant 2 : i32
      %mul3A_28 = arith.muli %mul3A_27, %scan3A_26 : i32
      %add3A_29 = arith.constant 1 : i32
      %add3A_30 = arith.addi %mul3A_28, %add3A_29 : i32
      %mul3A_31 = arith.constant 80 : i32
      %mul3A_32 = arith.muli %add3A_30, %mul3A_31 : i32
      %dma_start3A_33 = tpu.memref_slice %arg7[%mul3A_32] : memref<10000xi32, #tpu.memory_space<vmem>> -> memref<80xi32, #tpu.memory_space<vmem>>
      %dma_start3A_34 = arith.constant 0 : i32
      %dma_start3A_35 = arith.constant 0 : i32
      %dma_start3A_36 = tpu.memref_slice %arg2[%dma_start3A_34, %dma_start3A_35] : memref<10000x128xf32, #tpu.memory_space<hbm>> -> memref<10000x128xf32, #tpu.memory_space<hbm>>
      tpu.enqueue_indirect_dma source(%dma_start3A_36 : memref<10000x128xf32, #tpu.memory_space<hbm>>) target(%arg10 : memref<80x128xf32, #tpu.memory_space<vmem>>) offsets(%dma_start3A_33 : memref<80xi32, #tpu.memory_space<vmem>>) semaphore(%arg13 : memref<!tpu.dma_semaphore, #tpu.memory_space<semaphore_mem>>)
      %dma_wait3A_37 = arith.constant 0 : i32
      %dma_wait3A_38 = tpu.memref_slice %arg7[%dma_wait3A_37] : memref<10000xi32, #tpu.memory_space<vmem>> -> memref<80xi32, #tpu.memory_space<vmem>>
      %dma_wait3A_39 = arith.constant 0 : i32
      %dma_wait3A_40 = arith.constant 0 : i32
      %dma_wait3A_41 = tpu.memref_slice %arg2[%dma_wait3A_39, %dma_wait3A_40] : memref<10000x128xf32, #tpu.memory_space<hbm>> -> memref<10000x128xf32, #tpu.memory_space<hbm>>
      tpu.wait_indirect_dma semaphore(%arg12 : memref<!tpu.dma_semaphore, #tpu.memory_space<semaphore_mem>>) src(%dma_wait3A_41 : memref<10000x128xf32, #tpu.memory_space<hbm>>) dst(%arg9 : memref<80x128xf32, #tpu.memory_space<vmem>>)
      %mul3A_42 = arith.constant 2 : i32
      %mul3A_43 = arith.muli %mul3A_42, %scan3A_26 : i32
      "tpu.region"() ({
        %run_scoped3A_63 = tpu.sem_alloc : memref<!tpu.dma_semaphore, #tpu.memory_space<semaphore_mem>>
        %dma_start3A_64 = arith.constant 0 : i32
        %dma_start3A_65 = tpu.memref_slice %arg8[%mul3A_43, %dma_start3A_64] : memref<125x80xi32, #tpu.memory_space<vmem>> -> memref<1x80xi32, #tpu.memory_space<vmem>>
        %dma_start3A_66 = tpu.memref_squeeze %dma_start3A_65 : memref<1x80xi32, #tpu.memory_space<vmem>> -> memref<80xi32, #tpu.memory_space<vmem>>
        %dma_start3A_67 = arith.constant 0 : i32
        %dma_start3A_68 = arith.constant 0 : i32
        %dma_start3A_69 = tpu.memref_slice %arg11[%dma_start3A_67, %dma_start3A_68] : memref<10112x128xf32, #tpu.memory_space<vmem_shared>> -> memref<10112x128xf32, #tpu.memory_space<vmem_shared>>
        tpu.enqueue_indirect_dma source(%arg9 : memref<80x128xf32, #tpu.memory_space<vmem>>) target(%dma_start3A_69 : memref<10112x128xf32, #tpu.memory_space<vmem_shared>>) offsets(%dma_start3A_66 : memref<80xi32, #tpu.memory_space<vmem>>) semaphore(%run_scoped3A_63 : memref<!tpu.dma_semaphore, #tpu.memory_space<semaphore_mem>>) {add = true}
        %dma_wait3A_70 = arith.constant 0 : i32
        %dma_wait3A_71 = tpu.memref_slice %arg8[%mul3A_43, %dma_wait3A_70] : memref<125x80xi32, #tpu.memory_space<vmem>> -> memref<1x80xi32, #tpu.memory_space<vmem>>
        %dma_wait3A_72 = tpu.memref_squeeze %dma_wait3A_71 : memref<1x80xi32, #tpu.memory_space<vmem>> -> memref<80xi32, #tpu.memory_space<vmem>>
        %dma_wait3A_73 = arith.constant 0 : i32
        %dma_wait3A_74 = arith.constant 0 : i32
        %dma_wait3A_75 = tpu.memref_slice %arg11[%dma_wait3A_73, %dma_wait3A_74] : memref<10112x128xf32, #tpu.memory_space<vmem_shared>> -> memref<10112x128xf32, #tpu.memory_space<vmem_shared>>
        tpu.wait_indirect_dma semaphore(%run_scoped3A_63 : memref<!tpu.dma_semaphore, #tpu.memory_space<semaphore_mem>>) src(%arg9 : memref<80x128xf32, #tpu.memory_space<vmem>>) dst(%dma_wait3A_75 : memref<10112x128xf32, #tpu.memory_space<vmem_shared>>)
        tpu.yield
      }) : () -> ()
      %mul3A_44 = arith.constant 2 : i32
      %mul3A_45 = arith.muli %mul3A_44, %scan3A_26 : i32
      %add3A_46 = arith.constant 2 : i32
      %add3A_47 = arith.addi %mul3A_45, %add3A_46 : i32
      %mul3A_48 = arith.constant 80 : i32
      %mul3A_49 = arith.muli %add3A_47, %mul3A_48 : i32
      %dma_start3A_50 = tpu.memref_slice %arg7[%mul3A_49] : memref<10000xi32, #tpu.memory_space<vmem>> -> memref<80xi32, #tpu.memory_space<vmem>>
      %dma_start3A_51 = arith.constant 0 : i32
      %dma_start3A_52 = arith.constant 0 : i32
      %dma_start3A_53 = tpu.memref_slice %arg2[%dma_start3A_51, %dma_start3A_52] : memref<10000x128xf32, #tpu.memory_space<hbm>> -> memref<10000x128xf32, #tpu.memory_space<hbm>>
      tpu.enqueue_indirect_dma source(%dma_start3A_53 : memref<10000x128xf32, #tpu.memory_space<hbm>>) target(%arg9 : memref<80x128xf32, #tpu.memory_space<vmem>>) offsets(%dma_start3A_50 : memref<80xi32, #tpu.memory_space<vmem>>) semaphore(%arg12 : memref<!tpu.dma_semaphore, #tpu.memory_space<semaphore_mem>>)
      %dma_wait3A_54 = arith.constant 0 : i32
      %dma_wait3A_55 = tpu.memref_slice %arg7[%dma_wait3A_54] : memref<10000xi32, #tpu.memory_space<vmem>> -> memref<80xi32, #tpu.memory_space<vmem>>
      %dma_wait3A_56 = arith.constant 0 : i32
      %dma_wait3A_57 = arith.constant 0 : i32
      %dma_wait3A_58 = tpu.memref_slice %arg2[%dma_wait3A_56, %dma_wait3A_57] : memref<10000x128xf32, #tpu.memory_space<hbm>> -> memref<10000x128xf32, #tpu.memory_space<hbm>>
      tpu.wait_indirect_dma semaphore(%arg13 : memref<!tpu.dma_semaphore, #tpu.memory_space<semaphore_mem>>) src(%dma_wait3A_58 : memref<10000x128xf32, #tpu.memory_space<hbm>>) dst(%arg10 : memref<80x128xf32, #tpu.memory_space<vmem>>)
      %mul3A_59 = arith.constant 2 : i32
      %mul3A_60 = arith.muli %mul3A_59, %scan3A_26 : i32
      %add3A_61 = arith.constant 1 : i32
      %add3A_62 = arith.addi %mul3A_60, %add3A_61 : i32
      "tpu.region"() ({
        %run_scoped3A_63 = tpu.sem_alloc : memref<!tpu.dma_semaphore, #tpu.memory_space<semaphore_mem>>
        %dma_start3A_64 = arith.constant 0 : i32
        %dma_start3A_65 = tpu.memref_slice %arg8[%add3A_62, %dma_start3A_64] : memref<125x80xi32, #tpu.memory_space<vmem>> -> memref<1x80xi32, #tpu.memory_space<vmem>>
        %dma_start3A_66 = tpu.memref_squeeze %dma_start3A_65 : memref<1x80xi32, #tpu.memory_space<vmem>> -> memref<80xi32, #tpu.memory_space<vmem>>
        %dma_start3A_67 = arith.constant 0 : i32
        %dma_start3A_68 = arith.constant 0 : i32
        %dma_start3A_69 = tpu.memref_slice %arg11[%dma_start3A_67, %dma_start3A_68] : memref<10112x128xf32, #tpu.memory_space<vmem_shared>> -> memref<10112x128xf32, #tpu.memory_space<vmem_shared>>
        tpu.enqueue_indirect_dma source(%arg10 : memref<80x128xf32, #tpu.memory_space<vmem>>) target(%dma_start3A_69 : memref<10112x128xf32, #tpu.memory_space<vmem_shared>>) offsets(%dma_start3A_66 : memref<80xi32, #tpu.memory_space<vmem>>) semaphore(%run_scoped3A_63 : memref<!tpu.dma_semaphore, #tpu.memory_space<semaphore_mem>>) {add = true}
        %dma_wait3A_70 = arith.constant 0 : i32
        %dma_wait3A_71 = tpu.memref_slice %arg8[%add3A_62, %dma_wait3A_70] : memref<125x80xi32, #tpu.memory_space<vmem>> -> memref<1x80xi32, #tpu.memory_space<vmem>>
        %dma_wait3A_72 = tpu.memref_squeeze %dma_wait3A_71 : memref<1x80xi32, #tpu.memory_space<vmem>> -> memref<80xi32, #tpu.memory_space<vmem>>
        %dma_wait3A_73 = arith.constant 0 : i32
        %dma_wait3A_74 = arith.constant 0 : i32
        %dma_wait3A_75 = tpu.memref_slice %arg11[%dma_wait3A_73, %dma_wait3A_74] : memref<10112x128xf32, #tpu.memory_space<vmem_shared>> -> memref<10112x128xf32, #tpu.memory_space<vmem_shared>>
        tpu.wait_indirect_dma semaphore(%run_scoped3A_63 : memref<!tpu.dma_semaphore, #tpu.memory_space<semaphore_mem>>) src(%arg10 : memref<80x128xf32, #tpu.memory_space<vmem>>) dst(%dma_wait3A_75 : memref<10112x128xf32, #tpu.memory_space<vmem_shared>>)
        tpu.yield
      }) : () -> ()
    }
    %scan3A_16 = arith.constant 62 : i32
    %dma_wait3A = arith.constant 0 : i32
    %dma_wait3A_17 = tpu.memref_slice %arg7[%dma_wait3A] : memref<10000xi32, #tpu.memory_space<vmem>> -> memref<80xi32, #tpu.memory_space<vmem>>
    %dma_wait3A_18 = arith.constant 0 : i32
    %dma_wait3A_19 = arith.constant 0 : i32
    %dma_wait3A_20 = tpu.memref_slice %arg2[%dma_wait3A_18, %dma_wait3A_19] : memref<10000x128xf32, #tpu.memory_space<hbm>> -> memref<10000x128xf32, #tpu.memory_space<hbm>>
    tpu.wait_indirect_dma semaphore(%arg12 : memref<!tpu.dma_semaphore, #tpu.memory_space<semaphore_mem>>) src(%dma_wait3A_20 : memref<10000x128xf32, #tpu.memory_space<hbm>>) dst(%arg9 : memref<80x128xf32, #tpu.memory_space<vmem>>)
    %run_scoped3A = arith.constant 124 : i32
    "tpu.region"() ({
      %run_scoped3A_26 = tpu.sem_alloc : memref<!tpu.dma_semaphore, #tpu.memory_space<semaphore_mem>>
      %dma_start3A_27 = arith.constant 0 : i32
      %dma_start3A_28 = tpu.memref_slice %arg8[%run_scoped3A, %dma_start3A_27] : memref<125x80xi32, #tpu.memory_space<vmem>> -> memref<1x80xi32, #tpu.memory_space<vmem>>
      %dma_start3A_29 = tpu.memref_squeeze %dma_start3A_28 : memref<1x80xi32, #tpu.memory_space<vmem>> -> memref<80xi32, #tpu.memory_space<vmem>>
      %dma_start3A_30 = arith.constant 0 : i32
      %dma_start3A_31 = arith.constant 0 : i32
      %dma_start3A_32 = tpu.memref_slice %arg11[%dma_start3A_30, %dma_start3A_31] : memref<10112x128xf32, #tpu.memory_space<vmem_shared>> -> memref<10112x128xf32, #tpu.memory_space<vmem_shared>>
      tpu.enqueue_indirect_dma source(%arg9 : memref<80x128xf32, #tpu.memory_space<vmem>>) target(%dma_start3A_32 : memref<10112x128xf32, #tpu.memory_space<vmem_shared>>) offsets(%dma_start3A_29 : memref<80xi32, #tpu.memory_space<vmem>>) semaphore(%run_scoped3A_26 : memref<!tpu.dma_semaphore, #tpu.memory_space<semaphore_mem>>) {add = true}
      %dma_wait3A_33 = arith.constant 0 : i32
      %dma_wait3A_34 = tpu.memref_slice %arg8[%run_scoped3A, %dma_wait3A_33] : memref<125x80xi32, #tpu.memory_space<vmem>> -> memref<1x80xi32, #tpu.memory_space<vmem>>
      %dma_wait3A_35 = tpu.memref_squeeze %dma_wait3A_34 : memref<1x80xi32, #tpu.memory_space<vmem>> -> memref<80xi32, #tpu.memory_space<vmem>>
      %dma_wait3A_36 = arith.constant 0 : i32
      %dma_wait3A_37 = arith.constant 0 : i32
      %dma_wait3A_38 = tpu.memref_slice %arg11[%dma_wait3A_36, %dma_wait3A_37] : memref<10112x128xf32, #tpu.memory_space<vmem_shared>> -> memref<10112x128xf32, #tpu.memory_space<vmem_shared>>
      tpu.wait_indirect_dma semaphore(%run_scoped3A_26 : memref<!tpu.dma_semaphore, #tpu.memory_space<semaphore_mem>>) src(%arg9 : memref<80x128xf32, #tpu.memory_space<vmem>>) dst(%dma_wait3A_38 : memref<10112x128xf32, #tpu.memory_space<vmem_shared>>)
      tpu.yield
    }) : () -> ()
    %barrier3A_21 = arith.constant 0 : index
    tpu.barrier barrier_id(%barrier3A_21)
    %mul3A_22 = arith.constant 632 : i32
    %mul3A_23 = arith.muli %arg1, %mul3A_22 : i32
    %mul3A_24 = arith.constant 632 : i32
    %mul3A_25 = arith.muli %arg1, %mul3A_24 : i32
    "tpu.region"() ({
      %run_scoped3A_26 = tpu.sem_alloc : memref<!tpu.dma_semaphore, #tpu.memory_space<semaphore_mem>>
      %dma_start3A_27 = arith.constant 0 : i32
      %dma_start3A_28 = tpu.memref_slice %arg6[%arg0, %mul3A_25, %dma_start3A_27] : memref<2x10112x128xf32, #tpu.memory_space<hbm>> -> memref<1x632x128xf32, #tpu.memory_space<hbm>>
      %dma_start3A_29 = tpu.memref_squeeze %dma_start3A_28 : memref<1x632x128xf32, #tpu.memory_space<hbm>> -> memref<632x128xf32, #tpu.memory_space<hbm>>
      %dma_start3A_30 = arith.constant 0 : i32
      %dma_start3A_31 = tpu.memref_slice %arg11[%mul3A_23, %dma_start3A_30] : memref<10112x128xf32, #tpu.memory_space<vmem_shared>> -> memref<632x128xf32, #tpu.memory_space<vmem_shared>>
      tpu.enqueue_dma source(%dma_start3A_31 : memref<632x128xf32, #tpu.memory_space<vmem_shared>>) target(%dma_start3A_29 : memref<632x128xf32, #tpu.memory_space<hbm>>) target_semaphore(%run_scoped3A_26 : memref<!tpu.dma_semaphore, #tpu.memory_space<semaphore_mem>>)
      %dma_wait3A_32 = arith.constant 0 : i32
      %dma_wait3A_33 = tpu.memref_slice %arg6[%arg0, %mul3A_25, %dma_wait3A_32] : memref<2x10112x128xf32, #tpu.memory_space<hbm>> -> memref<1x632x128xf32, #tpu.memory_space<hbm>>
      %dma_wait3A_34 = tpu.memref_squeeze %dma_wait3A_33 : memref<1x632x128xf32, #tpu.memory_space<hbm>> -> memref<632x128xf32, #tpu.memory_space<hbm>>
      %dma_wait3A_35 = arith.constant 0 : i32
      %dma_wait3A_36 = tpu.memref_slice %arg11[%mul3A_23, %dma_wait3A_35] : memref<10112x128xf32, #tpu.memory_space<vmem_shared>> -> memref<632x128xf32, #tpu.memory_space<vmem_shared>>
      tpu.wait_dma2 semaphore(%run_scoped3A_26 : memref<!tpu.dma_semaphore, #tpu.memory_space<semaphore_mem>>) src(%dma_wait3A_36 : memref<632x128xf32, #tpu.memory_space<vmem_shared>>) dst(%dma_wait3A_34 : memref<632x128xf32, #tpu.memory_space<hbm>>)
      tpu.yield
    }) : () -> ()
    return
  }
}

#map = affine_map<(d0, d1) -> (0, 0)>
#map1 = affine_map<(d0, d1) -> (0, 0, 0)>
module attributes {stable_mosaic.version = 14 : i64} {
  func.func @_sc_agg_body(%arg0: i32, %arg1: i32, %arg2: memref<10000x128xf32, #tpu.memory_space<hbm>>, %arg3: memref<32x10000xi32, #tpu.memory_space<hbm>>, %arg4: memref<32x125x80xi32, #tpu.memory_space<hbm>>, %arg5: memref<632x128xf32, #tpu.memory_space<hbm>>, %arg6: memref<2x10112x128xf32, #tpu.memory_space<hbm>>, %arg7: memref<10000xi32, #tpu.memory_space<vmem>>, %arg8: memref<125x80xi32, #tpu.memory_space<vmem>>, %arg9: memref<80x128xf32, #tpu.memory_space<vmem>>, %arg10: memref<80x128xf32, #tpu.memory_space<vmem>>, %arg11: memref<10112x128xf32, #tpu.memory_space<vmem_shared>>, %arg12: memref<!tpu.dma_semaphore, #tpu.memory_space<semaphore_mem>>, %arg13: memref<!tpu.dma_semaphore, #tpu.memory_space<semaphore_mem>>) attributes {dimension_semantics = [#tpu.dimension_semantics<core_parallel>, #tpu.dimension_semantics<subcore_parallel>], iteration_bounds = array<i64: 2, 16>, scalar_prefetch = 0 : i64, scratch_operands = 7 : i64, tpu.core_type = #tpu.core_type<sc_vector_subcore>, window_params = [{transform_indices = #map}, {transform_indices = #map}, {transform_indices = #map1}, {transform_indices = #map}, {transform_indices = #map1}]} {
    %mul3A = arith.constant 16 : i32
    %mul3A_0 = arith.muli %arg0, %mul3A : i32
    %add3A = arith.addi %mul3A_0, %arg1 : i32
    "tpu.region"() ({
      %run_scoped3A_26 = tpu.sem_alloc : memref<!tpu.dma_semaphore, #tpu.memory_space<semaphore_mem>>
      %dma_start3A_27 = arith.constant 0 : i32
      %dma_start3A_28 = tpu.memref_slice %arg3[%add3A, %dma_start3A_27] : memref<32x10000xi32, #tpu.memory_space<hbm>> -> memref<1x10000xi32, #tpu.memory_space<hbm>>
      %dma_start3A_29 = tpu.memref_squeeze %dma_start3A_28 : memref<1x10000xi32, #tpu.memory_space<hbm>> -> memref<10000xi32, #tpu.memory_space<hbm>>
      %dma_start3A_30 = arith.constant 0 : i32
      %dma_start3A_31 = tpu.memref_slice %arg3[%add3A, %dma_start3A_30] : memref<32x10000xi32, #tpu.memory_space<hbm>> -> memref<1x10000xi32, #tpu.memory_space<hbm>>
      %dma_start3A_32 = tpu.memref_squeeze %dma_start3A_31 : memref<1x10000xi32, #tpu.memory_space<hbm>> -> memref<10000xi32, #tpu.memory_space<hbm>>
      tpu.enqueue_dma source(%dma_start3A_32 : memref<10000xi32, #tpu.memory_space<hbm>>) target(%arg7 : memref<10000xi32, #tpu.memory_space<vmem>>) target_semaphore(%run_scoped3A_26 : memref<!tpu.dma_semaphore, #tpu.memory_space<semaphore_mem>>)
      %dma_wait3A_33 = arith.constant 0 : i32
      %dma_wait3A_34 = tpu.memref_slice %arg3[%add3A, %dma_wait3A_33] : memref<32x10000xi32, #tpu.memory_space<hbm>> -> memref<1x10000xi32, #tpu.memory_space<hbm>>
      %dma_wait3A_35 = tpu.memref_squeeze %dma_wait3A_34 : memref<1x10000xi32, #tpu.memory_space<hbm>> -> memref<10000xi32, #tpu.memory_space<hbm>>
      %dma_wait3A_36 = arith.constant 0 : i32
      %dma_wait3A_37 = tpu.memref_slice %arg3[%add3A, %dma_wait3A_36] : memref<32x10000xi32, #tpu.memory_space<hbm>> -> memref<1x10000xi32, #tpu.memory_space<hbm>>
      %dma_wait3A_38 = tpu.memref_squeeze %dma_wait3A_37 : memref<1x10000xi32, #tpu.memory_space<hbm>> -> memref<10000xi32, #tpu.memory_space<hbm>>
      tpu.wait_dma2 semaphore(%run_scoped3A_26 : memref<!tpu.dma_semaphore, #tpu.memory_space<semaphore_mem>>) src(%dma_wait3A_38 : memref<10000xi32, #tpu.memory_space<hbm>>) dst(%arg7 : memref<10000xi32, #tpu.memory_space<vmem>>)
      tpu.yield
    }) : () -> ()
    "tpu.region"() ({
      %run_scoped3A_26 = tpu.sem_alloc : memref<!tpu.dma_semaphore, #tpu.memory_space<semaphore_mem>>
      %dma_start3A_27 = arith.constant 0 : i32
      %dma_start3A_28 = arith.constant 0 : i32
      %dma_start3A_29 = tpu.memref_slice %arg4[%add3A, %dma_start3A_27, %dma_start3A_28] : memref<32x125x80xi32, #tpu.memory_space<hbm>> -> memref<1x125x80xi32, #tpu.memory_space<hbm>>
      %dma_start3A_30 = tpu.memref_squeeze %dma_start3A_29 : memref<1x125x80xi32, #tpu.memory_space<hbm>> -> memref<125x80xi32, #tpu.memory_space<hbm>>
      %dma_start3A_31 = arith.constant 0 : i32
      %dma_start3A_32 = arith.constant 0 : i32
      %dma_start3A_33 = tpu.memref_slice %arg4[%add3A, %dma_start3A_31, %dma_start3A_32] : memref<32x125x80xi32, #tpu.memory_space<hbm>> -> memref<1x125x80xi32, #tpu.memory_space<hbm>>
      %dma_start3A_34 = tpu.memref_squeeze %dma_start3A_33 : memref<1x125x80xi32, #tpu.memory_space<hbm>> -> memref<125x80xi32, #tpu.memory_space<hbm>>
      tpu.enqueue_dma source(%dma_start3A_34 : memref<125x80xi32, #tpu.memory_space<hbm>>) target(%arg8 : memref<125x80xi32, #tpu.memory_space<vmem>>) target_semaphore(%run_scoped3A_26 : memref<!tpu.dma_semaphore, #tpu.memory_space<semaphore_mem>>)
      %dma_wait3A_35 = arith.constant 0 : i32
      %dma_wait3A_36 = arith.constant 0 : i32
      %dma_wait3A_37 = tpu.memref_slice %arg4[%add3A, %dma_wait3A_35, %dma_wait3A_36] : memref<32x125x80xi32, #tpu.memory_space<hbm>> -> memref<1x125x80xi32, #tpu.memory_space<hbm>>
      %dma_wait3A_38 = tpu.memref_squeeze %dma_wait3A_37 : memref<1x125x80xi32, #tpu.memory_space<hbm>> -> memref<125x80xi32, #tpu.memory_space<hbm>>
      %dma_wait3A_39 = arith.constant 0 : i32
      %dma_wait3A_40 = arith.constant 0 : i32
      %dma_wait3A_41 = tpu.memref_slice %arg4[%add3A, %dma_wait3A_39, %dma_wait3A_40] : memref<32x125x80xi32, #tpu.memory_space<hbm>> -> memref<1x125x80xi32, #tpu.memory_space<hbm>>
      %dma_wait3A_42 = tpu.memref_squeeze %dma_wait3A_41 : memref<1x125x80xi32, #tpu.memory_space<hbm>> -> memref<125x80xi32, #tpu.memory_space<hbm>>
      tpu.wait_dma2 semaphore(%run_scoped3A_26 : memref<!tpu.dma_semaphore, #tpu.memory_space<semaphore_mem>>) src(%dma_wait3A_42 : memref<125x80xi32, #tpu.memory_space<hbm>>) dst(%arg8 : memref<125x80xi32, #tpu.memory_space<vmem>>)
      tpu.yield
    }) : () -> ()
    %eq3A = arith.constant 0 : i32
    %eq3A_1 = arith.cmpi eq, %arg0, %eq3A : i32
    %convert_element_type3A = arith.extui %eq3A_1 : i1 to i32
    %cond3A = arith.constant 0 : i32
    %cond3A_2 = arith.cmpi ne, %convert_element_type3A, %cond3A : i32
    scf.if %cond3A_2 {
      %lt3A = arith.constant 15 : i32
      %lt3A_26 = arith.cmpi slt, %arg1, %lt3A : i32
      %convert_element_type3A_27 = arith.extui %lt3A_26 : i1 to i32
      %cond3A_28 = arith.constant 0 : i32
      %cond3A_29 = arith.cmpi ne, %convert_element_type3A_27, %cond3A_28 : i32
      scf.if %cond3A_29 {
        %mul3A_35 = arith.constant 632 : i32
        %mul3A_36 = arith.muli %arg1, %mul3A_35 : i32
        %mul3A_37 = arith.constant 632 : i32
        %mul3A_38 = arith.muli %arg1, %mul3A_37 : i32
        "tpu.region"() ({
          %run_scoped3A_39 = tpu.sem_alloc : memref<!tpu.dma_semaphore, #tpu.memory_space<semaphore_mem>>
          %dma_start3A_40 = arith.constant 0 : i32
          %dma_start3A_41 = tpu.memref_slice %arg11[%mul3A_38, %dma_start3A_40] : memref<10112x128xf32, #tpu.memory_space<vmem_shared>> -> memref<632x128xf32, #tpu.memory_space<vmem_shared>>
          %dma_start3A_42 = arith.constant 0 : i32
          %dma_start3A_43 = tpu.memref_slice %arg2[%mul3A_36, %dma_start3A_42] : memref<10000x128xf32, #tpu.memory_space<hbm>> -> memref<632x128xf32, #tpu.memory_space<hbm>>
          tpu.enqueue_dma source(%dma_start3A_43 : memref<632x128xf32, #tpu.memory_space<hbm>>) target(%dma_start3A_41 : memref<632x128xf32, #tpu.memory_space<vmem_shared>>) target_semaphore(%run_scoped3A_39 : memref<!tpu.dma_semaphore, #tpu.memory_space<semaphore_mem>>)
          %dma_wait3A_44 = arith.constant 0 : i32
          %dma_wait3A_45 = tpu.memref_slice %arg11[%mul3A_38, %dma_wait3A_44] : memref<10112x128xf32, #tpu.memory_space<vmem_shared>> -> memref<632x128xf32, #tpu.memory_space<vmem_shared>>
          %dma_wait3A_46 = arith.constant 0 : i32
          %dma_wait3A_47 = tpu.memref_slice %arg2[%mul3A_36, %dma_wait3A_46] : memref<10000x128xf32, #tpu.memory_space<hbm>> -> memref<632x128xf32, #tpu.memory_space<hbm>>
          tpu.wait_dma2 semaphore(%run_scoped3A_39 : memref<!tpu.dma_semaphore, #tpu.memory_space<semaphore_mem>>) src(%dma_wait3A_47 : memref<632x128xf32, #tpu.memory_space<hbm>>) dst(%dma_wait3A_45 : memref<632x128xf32, #tpu.memory_space<vmem_shared>>)
          tpu.yield
        }) : () -> ()
      } else {
      }
      %eq3A_30 = arith.constant 15 : i32
      %eq3A_31 = arith.cmpi eq, %arg1, %eq3A_30 : i32
      %convert_element_type3A_32 = arith.extui %eq3A_31 : i1 to i32
      %cond3A_33 = arith.constant 0 : i32
      %cond3A_34 = arith.cmpi ne, %convert_element_type3A_32, %cond3A_33 : i32
      scf.if %cond3A_34 {
        "tpu.region"() ({
          %run_scoped3A_35 = tpu.sem_alloc : memref<!tpu.dma_semaphore, #tpu.memory_space<semaphore_mem>>
          %dma_start3A_36 = arith.constant 9480 : i32
          %dma_start3A_37 = arith.constant 0 : i32
          %dma_start3A_38 = tpu.memref_slice %arg11[%dma_start3A_36, %dma_start3A_37] : memref<10112x128xf32, #tpu.memory_space<vmem_shared>> -> memref<520x128xf32, #tpu.memory_space<vmem_shared>>
          %dma_start3A_39 = arith.constant 9480 : i32
          %dma_start3A_40 = arith.constant 0 : i32
          %dma_start3A_41 = tpu.memref_slice %arg2[%dma_start3A_39, %dma_start3A_40] : memref<10000x128xf32, #tpu.memory_space<hbm>> -> memref<520x128xf32, #tpu.memory_space<hbm>>
          tpu.enqueue_dma source(%dma_start3A_41 : memref<520x128xf32, #tpu.memory_space<hbm>>) target(%dma_start3A_38 : memref<520x128xf32, #tpu.memory_space<vmem_shared>>) target_semaphore(%run_scoped3A_35 : memref<!tpu.dma_semaphore, #tpu.memory_space<semaphore_mem>>)
          %dma_wait3A_42 = arith.constant 9480 : i32
          %dma_wait3A_43 = arith.constant 0 : i32
          %dma_wait3A_44 = tpu.memref_slice %arg11[%dma_wait3A_42, %dma_wait3A_43] : memref<10112x128xf32, #tpu.memory_space<vmem_shared>> -> memref<520x128xf32, #tpu.memory_space<vmem_shared>>
          %dma_wait3A_45 = arith.constant 9480 : i32
          %dma_wait3A_46 = arith.constant 0 : i32
          %dma_wait3A_47 = tpu.memref_slice %arg2[%dma_wait3A_45, %dma_wait3A_46] : memref<10000x128xf32, #tpu.memory_space<hbm>> -> memref<520x128xf32, #tpu.memory_space<hbm>>
          tpu.wait_dma2 semaphore(%run_scoped3A_35 : memref<!tpu.dma_semaphore, #tpu.memory_space<semaphore_mem>>) src(%dma_wait3A_47 : memref<520x128xf32, #tpu.memory_space<hbm>>) dst(%dma_wait3A_44 : memref<520x128xf32, #tpu.memory_space<vmem_shared>>)
          tpu.yield
        }) : () -> ()
        "tpu.region"() ({
          %run_scoped3A_35 = tpu.sem_alloc : memref<!tpu.dma_semaphore, #tpu.memory_space<semaphore_mem>>
          %dma_start3A_36 = arith.constant 10000 : i32
          %dma_start3A_37 = arith.constant 0 : i32
          %dma_start3A_38 = tpu.memref_slice %arg11[%dma_start3A_36, %dma_start3A_37] : memref<10112x128xf32, #tpu.memory_space<vmem_shared>> -> memref<112x128xf32, #tpu.memory_space<vmem_shared>>
          %dma_start3A_39 = arith.constant 0 : i32
          %dma_start3A_40 = arith.constant 0 : i32
          %dma_start3A_41 = tpu.memref_slice %arg5[%dma_start3A_39, %dma_start3A_40] : memref<632x128xf32, #tpu.memory_space<hbm>> -> memref<112x128xf32, #tpu.memory_space<hbm>>
          tpu.enqueue_dma source(%dma_start3A_41 : memref<112x128xf32, #tpu.memory_space<hbm>>) target(%dma_start3A_38 : memref<112x128xf32, #tpu.memory_space<vmem_shared>>) target_semaphore(%run_scoped3A_35 : memref<!tpu.dma_semaphore, #tpu.memory_space<semaphore_mem>>)
          %dma_wait3A_42 = arith.constant 10000 : i32
          %dma_wait3A_43 = arith.constant 0 : i32
          %dma_wait3A_44 = tpu.memref_slice %arg11[%dma_wait3A_42, %dma_wait3A_43] : memref<10112x128xf32, #tpu.memory_space<vmem_shared>> -> memref<112x128xf32, #tpu.memory_space<vmem_shared>>
          %dma_wait3A_45 = arith.constant 0 : i32
          %dma_wait3A_46 = arith.constant 0 : i32
          %dma_wait3A_47 = tpu.memref_slice %arg5[%dma_wait3A_45, %dma_wait3A_46] : memref<632x128xf32, #tpu.memory_space<hbm>> -> memref<112x128xf32, #tpu.memory_space<hbm>>
          tpu.wait_dma2 semaphore(%run_scoped3A_35 : memref<!tpu.dma_semaphore, #tpu.memory_space<semaphore_mem>>) src(%dma_wait3A_47 : memref<112x128xf32, #tpu.memory_space<hbm>>) dst(%dma_wait3A_44 : memref<112x128xf32, #tpu.memory_space<vmem_shared>>)
          tpu.yield
        }) : () -> ()
      } else {
      }
    } else {
    }
    %eq3A_3 = arith.constant 1 : i32
    %eq3A_4 = arith.cmpi eq, %arg0, %eq3A_3 : i32
    %convert_element_type3A_5 = arith.extui %eq3A_4 : i1 to i32
    %cond3A_6 = arith.constant 0 : i32
    %cond3A_7 = arith.cmpi ne, %convert_element_type3A_5, %cond3A_6 : i32
    scf.if %cond3A_7 {
      %mul3A_26 = arith.constant 632 : i32
      %mul3A_27 = arith.muli %arg1, %mul3A_26 : i32
      "tpu.region"() ({
        %run_scoped3A_28 = tpu.sem_alloc : memref<!tpu.dma_semaphore, #tpu.memory_space<semaphore_mem>>
        %dma_start3A_29 = arith.constant 0 : i32
        %dma_start3A_30 = tpu.memref_slice %arg11[%mul3A_27, %dma_start3A_29] : memref<10112x128xf32, #tpu.memory_space<vmem_shared>> -> memref<632x128xf32, #tpu.memory_space<vmem_shared>>
        tpu.enqueue_dma source(%arg5 : memref<632x128xf32, #tpu.memory_space<hbm>>) target(%dma_start3A_30 : memref<632x128xf32, #tpu.memory_space<vmem_shared>>) target_semaphore(%run_scoped3A_28 : memref<!tpu.dma_semaphore, #tpu.memory_space<semaphore_mem>>)
        %dma_wait3A_31 = arith.constant 0 : i32
        %dma_wait3A_32 = tpu.memref_slice %arg11[%mul3A_27, %dma_wait3A_31] : memref<10112x128xf32, #tpu.memory_space<vmem_shared>> -> memref<632x128xf32, #tpu.memory_space<vmem_shared>>
        tpu.wait_dma2 semaphore(%run_scoped3A_28 : memref<!tpu.dma_semaphore, #tpu.memory_space<semaphore_mem>>) src(%arg5 : memref<632x128xf32, #tpu.memory_space<hbm>>) dst(%dma_wait3A_32 : memref<632x128xf32, #tpu.memory_space<vmem_shared>>)
        tpu.yield
      }) : () -> ()
    } else {
    }
    %barrier3A = arith.constant 0 : index
    tpu.barrier barrier_id(%barrier3A)
    %dma_start3A = arith.constant 0 : i32
    %dma_start3A_8 = tpu.memref_slice %arg7[%dma_start3A] : memref<10000xi32, #tpu.memory_space<vmem>> -> memref<80xi32, #tpu.memory_space<vmem>>
    %dma_start3A_9 = arith.constant 0 : i32
    %dma_start3A_10 = arith.constant 0 : i32
    %dma_start3A_11 = tpu.memref_slice %arg2[%dma_start3A_9, %dma_start3A_10] : memref<10000x128xf32, #tpu.memory_space<hbm>> -> memref<10000x128xf32, #tpu.memory_space<hbm>>
    tpu.enqueue_indirect_dma source(%dma_start3A_11 : memref<10000x128xf32, #tpu.memory_space<hbm>>) target(%arg9 : memref<80x128xf32, #tpu.memory_space<vmem>>) offsets(%dma_start3A_8 : memref<80xi32, #tpu.memory_space<vmem>>) semaphore(%arg12 : memref<!tpu.dma_semaphore, #tpu.memory_space<semaphore_mem>>)
    %scan3A = arith.constant 0 : i32
    %scan3A_12 = arith.constant 0 : i32
    %scan3A_13 = arith.constant 62 : i32
    %scan3A_14 = arith.addi %scan3A_12, %scan3A_13 : i32
    %scan3A_15 = arith.constant 1 : i32
    scf.for %scan3A_26 = %scan3A_12 to %scan3A_14 step %scan3A_15  : i32 {
      %mul3A_27 = arith.constant 2 : i32
      %mul3A_28 = arith.muli %mul3A_27, %scan3A_26 : i32
      %add3A_29 = arith.constant 1 : i32
      %add3A_30 = arith.addi %mul3A_28, %add3A_29 : i32
      %mul3A_31 = arith.constant 80 : i32
      %mul3A_32 = arith.muli %add3A_30, %mul3A_31 : i32
      %dma_start3A_33 = tpu.memref_slice %arg7[%mul3A_32] : memref<10000xi32, #tpu.memory_space<vmem>> -> memref<80xi32, #tpu.memory_space<vmem>>
      %dma_start3A_34 = arith.constant 0 : i32
      %dma_start3A_35 = arith.constant 0 : i32
      %dma_start3A_36 = tpu.memref_slice %arg2[%dma_start3A_34, %dma_start3A_35] : memref<10000x128xf32, #tpu.memory_space<hbm>> -> memref<10000x128xf32, #tpu.memory_space<hbm>>
      tpu.enqueue_indirect_dma source(%dma_start3A_36 : memref<10000x128xf32, #tpu.memory_space<hbm>>) target(%arg10 : memref<80x128xf32, #tpu.memory_space<vmem>>) offsets(%dma_start3A_33 : memref<80xi32, #tpu.memory_space<vmem>>) semaphore(%arg13 : memref<!tpu.dma_semaphore, #tpu.memory_space<semaphore_mem>>)
      %dma_wait3A_37 = arith.constant 0 : i32
      %dma_wait3A_38 = tpu.memref_slice %arg7[%dma_wait3A_37] : memref<10000xi32, #tpu.memory_space<vmem>> -> memref<80xi32, #tpu.memory_space<vmem>>
      %dma_wait3A_39 = arith.constant 0 : i32
      %dma_wait3A_40 = arith.constant 0 : i32
      %dma_wait3A_41 = tpu.memref_slice %arg2[%dma_wait3A_39, %dma_wait3A_40] : memref<10000x128xf32, #tpu.memory_space<hbm>> -> memref<10000x128xf32, #tpu.memory_space<hbm>>
      tpu.wait_indirect_dma semaphore(%arg12 : memref<!tpu.dma_semaphore, #tpu.memory_space<semaphore_mem>>) src(%dma_wait3A_41 : memref<10000x128xf32, #tpu.memory_space<hbm>>) dst(%arg9 : memref<80x128xf32, #tpu.memory_space<vmem>>)
      %mul3A_42 = arith.constant 2 : i32
      %mul3A_43 = arith.muli %mul3A_42, %scan3A_26 : i32
      "tpu.region"() ({
        %run_scoped3A_63 = tpu.sem_alloc : memref<!tpu.dma_semaphore, #tpu.memory_space<semaphore_mem>>
        %dma_start3A_64 = arith.constant 0 : i32
        %dma_start3A_65 = tpu.memref_slice %arg8[%mul3A_43, %dma_start3A_64] : memref<125x80xi32, #tpu.memory_space<vmem>> -> memref<1x80xi32, #tpu.memory_space<vmem>>
        %dma_start3A_66 = tpu.memref_squeeze %dma_start3A_65 : memref<1x80xi32, #tpu.memory_space<vmem>> -> memref<80xi32, #tpu.memory_space<vmem>>
        %dma_start3A_67 = arith.constant 0 : i32
        %dma_start3A_68 = arith.constant 0 : i32
        %dma_start3A_69 = tpu.memref_slice %arg11[%dma_start3A_67, %dma_start3A_68] : memref<10112x128xf32, #tpu.memory_space<vmem_shared>> -> memref<10112x128xf32, #tpu.memory_space<vmem_shared>>
        tpu.enqueue_indirect_dma source(%arg9 : memref<80x128xf32, #tpu.memory_space<vmem>>) target(%dma_start3A_69 : memref<10112x128xf32, #tpu.memory_space<vmem_shared>>) offsets(%dma_start3A_66 : memref<80xi32, #tpu.memory_space<vmem>>) semaphore(%run_scoped3A_63 : memref<!tpu.dma_semaphore, #tpu.memory_space<semaphore_mem>>) {add = true}
        %dma_wait3A_70 = arith.constant 0 : i32
        %dma_wait3A_71 = tpu.memref_slice %arg8[%mul3A_43, %dma_wait3A_70] : memref<125x80xi32, #tpu.memory_space<vmem>> -> memref<1x80xi32, #tpu.memory_space<vmem>>
        %dma_wait3A_72 = tpu.memref_squeeze %dma_wait3A_71 : memref<1x80xi32, #tpu.memory_space<vmem>> -> memref<80xi32, #tpu.memory_space<vmem>>
        %dma_wait3A_73 = arith.constant 0 : i32
        %dma_wait3A_74 = arith.constant 0 : i32
        %dma_wait3A_75 = tpu.memref_slice %arg11[%dma_wait3A_73, %dma_wait3A_74] : memref<10112x128xf32, #tpu.memory_space<vmem_shared>> -> memref<10112x128xf32, #tpu.memory_space<vmem_shared>>
        tpu.wait_indirect_dma semaphore(%run_scoped3A_63 : memref<!tpu.dma_semaphore, #tpu.memory_space<semaphore_mem>>) src(%arg9 : memref<80x128xf32, #tpu.memory_space<vmem>>) dst(%dma_wait3A_75 : memref<10112x128xf32, #tpu.memory_space<vmem_shared>>)
        tpu.yield
      }) : () -> ()
      %mul3A_44 = arith.constant 2 : i32
      %mul3A_45 = arith.muli %mul3A_44, %scan3A_26 : i32
      %add3A_46 = arith.constant 2 : i32
      %add3A_47 = arith.addi %mul3A_45, %add3A_46 : i32
      %mul3A_48 = arith.constant 80 : i32
      %mul3A_49 = arith.muli %add3A_47, %mul3A_48 : i32
      %dma_start3A_50 = tpu.memref_slice %arg7[%mul3A_49] : memref<10000xi32, #tpu.memory_space<vmem>> -> memref<80xi32, #tpu.memory_space<vmem>>
      %dma_start3A_51 = arith.constant 0 : i32
      %dma_start3A_52 = arith.constant 0 : i32
      %dma_start3A_53 = tpu.memref_slice %arg2[%dma_start3A_51, %dma_start3A_52] : memref<10000x128xf32, #tpu.memory_space<hbm>> -> memref<10000x128xf32, #tpu.memory_space<hbm>>
      tpu.enqueue_indirect_dma source(%dma_start3A_53 : memref<10000x128xf32, #tpu.memory_space<hbm>>) target(%arg9 : memref<80x128xf32, #tpu.memory_space<vmem>>) offsets(%dma_start3A_50 : memref<80xi32, #tpu.memory_space<vmem>>) semaphore(%arg12 : memref<!tpu.dma_semaphore, #tpu.memory_space<semaphore_mem>>)
      %dma_wait3A_54 = arith.constant 0 : i32
      %dma_wait3A_55 = tpu.memref_slice %arg7[%dma_wait3A_54] : memref<10000xi32, #tpu.memory_space<vmem>> -> memref<80xi32, #tpu.memory_space<vmem>>
      %dma_wait3A_56 = arith.constant 0 : i32
      %dma_wait3A_57 = arith.constant 0 : i32
      %dma_wait3A_58 = tpu.memref_slice %arg2[%dma_wait3A_56, %dma_wait3A_57] : memref<10000x128xf32, #tpu.memory_space<hbm>> -> memref<10000x128xf32, #tpu.memory_space<hbm>>
      tpu.wait_indirect_dma semaphore(%arg13 : memref<!tpu.dma_semaphore, #tpu.memory_space<semaphore_mem>>) src(%dma_wait3A_58 : memref<10000x128xf32, #tpu.memory_space<hbm>>) dst(%arg10 : memref<80x128xf32, #tpu.memory_space<vmem>>)
      %mul3A_59 = arith.constant 2 : i32
      %mul3A_60 = arith.muli %mul3A_59, %scan3A_26 : i32
      %add3A_61 = arith.constant 1 : i32
      %add3A_62 = arith.addi %mul3A_60, %add3A_61 : i32
      "tpu.region"() ({
        %run_scoped3A_63 = tpu.sem_alloc : memref<!tpu.dma_semaphore, #tpu.memory_space<semaphore_mem>>
        %dma_start3A_64 = arith.constant 0 : i32
        %dma_start3A_65 = tpu.memref_slice %arg8[%add3A_62, %dma_start3A_64] : memref<125x80xi32, #tpu.memory_space<vmem>> -> memref<1x80xi32, #tpu.memory_space<vmem>>
        %dma_start3A_66 = tpu.memref_squeeze %dma_start3A_65 : memref<1x80xi32, #tpu.memory_space<vmem>> -> memref<80xi32, #tpu.memory_space<vmem>>
        %dma_start3A_67 = arith.constant 0 : i32
        %dma_start3A_68 = arith.constant 0 : i32
        %dma_start3A_69 = tpu.memref_slice %arg11[%dma_start3A_67, %dma_start3A_68] : memref<10112x128xf32, #tpu.memory_space<vmem_shared>> -> memref<10112x128xf32, #tpu.memory_space<vmem_shared>>
        tpu.enqueue_indirect_dma source(%arg10 : memref<80x128xf32, #tpu.memory_space<vmem>>) target(%dma_start3A_69 : memref<10112x128xf32, #tpu.memory_space<vmem_shared>>) offsets(%dma_start3A_66 : memref<80xi32, #tpu.memory_space<vmem>>) semaphore(%run_scoped3A_63 : memref<!tpu.dma_semaphore, #tpu.memory_space<semaphore_mem>>) {add = true}
        %dma_wait3A_70 = arith.constant 0 : i32
        %dma_wait3A_71 = tpu.memref_slice %arg8[%add3A_62, %dma_wait3A_70] : memref<125x80xi32, #tpu.memory_space<vmem>> -> memref<1x80xi32, #tpu.memory_space<vmem>>
        %dma_wait3A_72 = tpu.memref_squeeze %dma_wait3A_71 : memref<1x80xi32, #tpu.memory_space<vmem>> -> memref<80xi32, #tpu.memory_space<vmem>>
        %dma_wait3A_73 = arith.constant 0 : i32
        %dma_wait3A_74 = arith.constant 0 : i32
        %dma_wait3A_75 = tpu.memref_slice %arg11[%dma_wait3A_73, %dma_wait3A_74] : memref<10112x128xf32, #tpu.memory_space<vmem_shared>> -> memref<10112x128xf32, #tpu.memory_space<vmem_shared>>
        tpu.wait_indirect_dma semaphore(%run_scoped3A_63 : memref<!tpu.dma_semaphore, #tpu.memory_space<semaphore_mem>>) src(%arg10 : memref<80x128xf32, #tpu.memory_space<vmem>>) dst(%dma_wait3A_75 : memref<10112x128xf32, #tpu.memory_space<vmem_shared>>)
        tpu.yield
      }) : () -> ()
    }
    %scan3A_16 = arith.constant 62 : i32
    %dma_wait3A = arith.constant 0 : i32
    %dma_wait3A_17 = tpu.memref_slice %arg7[%dma_wait3A] : memref<10000xi32, #tpu.memory_space<vmem>> -> memref<80xi32, #tpu.memory_space<vmem>>
    %dma_wait3A_18 = arith.constant 0 : i32
    %dma_wait3A_19 = arith.constant 0 : i32
    %dma_wait3A_20 = tpu.memref_slice %arg2[%dma_wait3A_18, %dma_wait3A_19] : memref<10000x128xf32, #tpu.memory_space<hbm>> -> memref<10000x128xf32, #tpu.memory_space<hbm>>
    tpu.wait_indirect_dma semaphore(%arg12 : memref<!tpu.dma_semaphore, #tpu.memory_space<semaphore_mem>>) src(%dma_wait3A_20 : memref<10000x128xf32, #tpu.memory_space<hbm>>) dst(%arg9 : memref<80x128xf32, #tpu.memory_space<vmem>>)
    %run_scoped3A = arith.constant 124 : i32
    "tpu.region"() ({
      %run_scoped3A_26 = tpu.sem_alloc : memref<!tpu.dma_semaphore, #tpu.memory_space<semaphore_mem>>
      %dma_start3A_27 = arith.constant 0 : i32
      %dma_start3A_28 = tpu.memref_slice %arg8[%run_scoped3A, %dma_start3A_27] : memref<125x80xi32, #tpu.memory_space<vmem>> -> memref<1x80xi32, #tpu.memory_space<vmem>>
      %dma_start3A_29 = tpu.memref_squeeze %dma_start3A_28 : memref<1x80xi32, #tpu.memory_space<vmem>> -> memref<80xi32, #tpu.memory_space<vmem>>
      %dma_start3A_30 = arith.constant 0 : i32
      %dma_start3A_31 = arith.constant 0 : i32
      %dma_start3A_32 = tpu.memref_slice %arg11[%dma_start3A_30, %dma_start3A_31] : memref<10112x128xf32, #tpu.memory_space<vmem_shared>> -> memref<10112x128xf32, #tpu.memory_space<vmem_shared>>
      tpu.enqueue_indirect_dma source(%arg9 : memref<80x128xf32, #tpu.memory_space<vmem>>) target(%dma_start3A_32 : memref<10112x128xf32, #tpu.memory_space<vmem_shared>>) offsets(%dma_start3A_29 : memref<80xi32, #tpu.memory_space<vmem>>) semaphore(%run_scoped3A_26 : memref<!tpu.dma_semaphore, #tpu.memory_space<semaphore_mem>>) {add = true}
      %dma_wait3A_33 = arith.constant 0 : i32
      %dma_wait3A_34 = tpu.memref_slice %arg8[%run_scoped3A, %dma_wait3A_33] : memref<125x80xi32, #tpu.memory_space<vmem>> -> memref<1x80xi32, #tpu.memory_space<vmem>>
      %dma_wait3A_35 = tpu.memref_squeeze %dma_wait3A_34 : memref<1x80xi32, #tpu.memory_space<vmem>> -> memref<80xi32, #tpu.memory_space<vmem>>
      %dma_wait3A_36 = arith.constant 0 : i32
      %dma_wait3A_37 = arith.constant 0 : i32
      %dma_wait3A_38 = tpu.memref_slice %arg11[%dma_wait3A_36, %dma_wait3A_37] : memref<10112x128xf32, #tpu.memory_space<vmem_shared>> -> memref<10112x128xf32, #tpu.memory_space<vmem_shared>>
      tpu.wait_indirect_dma semaphore(%run_scoped3A_26 : memref<!tpu.dma_semaphore, #tpu.memory_space<semaphore_mem>>) src(%arg9 : memref<80x128xf32, #tpu.memory_space<vmem>>) dst(%dma_wait3A_38 : memref<10112x128xf32, #tpu.memory_space<vmem_shared>>)
      tpu.yield
    }) : () -> ()
    %barrier3A_21 = arith.constant 0 : index
    tpu.barrier barrier_id(%barrier3A_21)
    %mul3A_22 = arith.constant 632 : i32
    %mul3A_23 = arith.muli %arg1, %mul3A_22 : i32
    %mul3A_24 = arith.constant 632 : i32
    %mul3A_25 = arith.muli %arg1, %mul3A_24 : i32
    "tpu.region"() ({
      %run_scoped3A_26 = tpu.sem_alloc : memref<!tpu.dma_semaphore, #tpu.memory_space<semaphore_mem>>
      %dma_start3A_27 = arith.constant 0 : i32
      %dma_start3A_28 = tpu.memref_slice %arg6[%arg0, %mul3A_25, %dma_start3A_27] : memref<2x10112x128xf32, #tpu.memory_space<hbm>> -> memref<1x632x128xf32, #tpu.memory_space<hbm>>
      %dma_start3A_29 = tpu.memref_squeeze %dma_start3A_28 : memref<1x632x128xf32, #tpu.memory_space<hbm>> -> memref<632x128xf32, #tpu.memory_space<hbm>>
      %dma_start3A_30 = arith.constant 0 : i32
      %dma_start3A_31 = tpu.memref_slice %arg11[%mul3A_23, %dma_start3A_30] : memref<10112x128xf32, #tpu.memory_space<vmem_shared>> -> memref<632x128xf32, #tpu.memory_space<vmem_shared>>
      tpu.enqueue_dma source(%dma_start3A_31 : memref<632x128xf32, #tpu.memory_space<vmem_shared>>) target(%dma_start3A_29 : memref<632x128xf32, #tpu.memory_space<hbm>>) target_semaphore(%run_scoped3A_26 : memref<!tpu.dma_semaphore, #tpu.memory_space<semaphore_mem>>)
      %dma_wait3A_32 = arith.constant 0 : i32
      %dma_wait3A_33 = tpu.memref_slice %arg6[%arg0, %mul3A_25, %dma_wait3A_32] : memref<2x10112x128xf32, #tpu.memory_space<hbm>> -> memref<1x632x128xf32, #tpu.memory_space<hbm>>
      %dma_wait3A_34 = tpu.memref_squeeze %dma_wait3A_33 : memref<1x632x128xf32, #tpu.memory_space<hbm>> -> memref<632x128xf32, #tpu.memory_space<hbm>>
      %dma_wait3A_35 = arith.constant 0 : i32
      %dma_wait3A_36 = tpu.memref_slice %arg11[%mul3A_23, %dma_wait3A_35] : memref<10112x128xf32, #tpu.memory_space<vmem_shared>> -> memref<632x128xf32, #tpu.memory_space<vmem_shared>>
      tpu.wait_dma2 semaphore(%run_scoped3A_26 : memref<!tpu.dma_semaphore, #tpu.memory_space<semaphore_mem>>) src(%dma_wait3A_36 : memref<632x128xf32, #tpu.memory_space<vmem_shared>>) dst(%dma_wait3A_34 : memref<632x128xf32, #tpu.memory_space<hbm>>)
      tpu.yield
    }) : () -> ()
    return
  }
}

#map = affine_map<(d0, d1) -> (0, 0)>
#map1 = affine_map<(d0, d1) -> (0, 0, 0)>
module attributes {stable_mosaic.version = 14 : i64} {
  func.func @_sc_agg_body(%arg0: i32, %arg1: i32, %arg2: memref<10000x128xf32, #tpu.memory_space<hbm>>, %arg3: memref<32x10000xi32, #tpu.memory_space<hbm>>, %arg4: memref<32x125x80xi32, #tpu.memory_space<hbm>>, %arg5: memref<632x128xf32, #tpu.memory_space<hbm>>, %arg6: memref<2x10112x128xf32, #tpu.memory_space<hbm>>, %arg7: memref<10000xi32, #tpu.memory_space<vmem>>, %arg8: memref<125x80xi32, #tpu.memory_space<vmem>>, %arg9: memref<80x128xf32, #tpu.memory_space<vmem>>, %arg10: memref<80x128xf32, #tpu.memory_space<vmem>>, %arg11: memref<10112x128xf32, #tpu.memory_space<vmem_shared>>, %arg12: memref<!tpu.dma_semaphore, #tpu.memory_space<semaphore_mem>>, %arg13: memref<!tpu.dma_semaphore, #tpu.memory_space<semaphore_mem>>) attributes {dimension_semantics = [#tpu.dimension_semantics<core_parallel>, #tpu.dimension_semantics<subcore_parallel>], iteration_bounds = array<i64: 2, 16>, scalar_prefetch = 0 : i64, scratch_operands = 7 : i64, tpu.core_type = #tpu.core_type<sc_vector_subcore>, window_params = [{transform_indices = #map}, {transform_indices = #map}, {transform_indices = #map1}, {transform_indices = #map}, {transform_indices = #map1}]} {
    %mul3A = arith.constant 16 : i32
    %mul3A_0 = arith.muli %arg0, %mul3A : i32
    %add3A = arith.addi %mul3A_0, %arg1 : i32
    "tpu.region"() ({
      %run_scoped3A_26 = tpu.sem_alloc : memref<!tpu.dma_semaphore, #tpu.memory_space<semaphore_mem>>
      %dma_start3A_27 = arith.constant 0 : i32
      %dma_start3A_28 = tpu.memref_slice %arg3[%add3A, %dma_start3A_27] : memref<32x10000xi32, #tpu.memory_space<hbm>> -> memref<1x10000xi32, #tpu.memory_space<hbm>>
      %dma_start3A_29 = tpu.memref_squeeze %dma_start3A_28 : memref<1x10000xi32, #tpu.memory_space<hbm>> -> memref<10000xi32, #tpu.memory_space<hbm>>
      %dma_start3A_30 = arith.constant 0 : i32
      %dma_start3A_31 = tpu.memref_slice %arg3[%add3A, %dma_start3A_30] : memref<32x10000xi32, #tpu.memory_space<hbm>> -> memref<1x10000xi32, #tpu.memory_space<hbm>>
      %dma_start3A_32 = tpu.memref_squeeze %dma_start3A_31 : memref<1x10000xi32, #tpu.memory_space<hbm>> -> memref<10000xi32, #tpu.memory_space<hbm>>
      tpu.enqueue_dma source(%dma_start3A_32 : memref<10000xi32, #tpu.memory_space<hbm>>) target(%arg7 : memref<10000xi32, #tpu.memory_space<vmem>>) target_semaphore(%run_scoped3A_26 : memref<!tpu.dma_semaphore, #tpu.memory_space<semaphore_mem>>)
      %dma_wait3A_33 = arith.constant 0 : i32
      %dma_wait3A_34 = tpu.memref_slice %arg3[%add3A, %dma_wait3A_33] : memref<32x10000xi32, #tpu.memory_space<hbm>> -> memref<1x10000xi32, #tpu.memory_space<hbm>>
      %dma_wait3A_35 = tpu.memref_squeeze %dma_wait3A_34 : memref<1x10000xi32, #tpu.memory_space<hbm>> -> memref<10000xi32, #tpu.memory_space<hbm>>
      %dma_wait3A_36 = arith.constant 0 : i32
      %dma_wait3A_37 = tpu.memref_slice %arg3[%add3A, %dma_wait3A_36] : memref<32x10000xi32, #tpu.memory_space<hbm>> -> memref<1x10000xi32, #tpu.memory_space<hbm>>
      %dma_wait3A_38 = tpu.memref_squeeze %dma_wait3A_37 : memref<1x10000xi32, #tpu.memory_space<hbm>> -> memref<10000xi32, #tpu.memory_space<hbm>>
      tpu.wait_dma2 semaphore(%run_scoped3A_26 : memref<!tpu.dma_semaphore, #tpu.memory_space<semaphore_mem>>) src(%dma_wait3A_38 : memref<10000xi32, #tpu.memory_space<hbm>>) dst(%arg7 : memref<10000xi32, #tpu.memory_space<vmem>>)
      tpu.yield
    }) : () -> ()
    "tpu.region"() ({
      %run_scoped3A_26 = tpu.sem_alloc : memref<!tpu.dma_semaphore, #tpu.memory_space<semaphore_mem>>
      %dma_start3A_27 = arith.constant 0 : i32
      %dma_start3A_28 = arith.constant 0 : i32
      %dma_start3A_29 = tpu.memref_slice %arg4[%add3A, %dma_start3A_27, %dma_start3A_28] : memref<32x125x80xi32, #tpu.memory_space<hbm>> -> memref<1x125x80xi32, #tpu.memory_space<hbm>>
      %dma_start3A_30 = tpu.memref_squeeze %dma_start3A_29 : memref<1x125x80xi32, #tpu.memory_space<hbm>> -> memref<125x80xi32, #tpu.memory_space<hbm>>
      %dma_start3A_31 = arith.constant 0 : i32
      %dma_start3A_32 = arith.constant 0 : i32
      %dma_start3A_33 = tpu.memref_slice %arg4[%add3A, %dma_start3A_31, %dma_start3A_32] : memref<32x125x80xi32, #tpu.memory_space<hbm>> -> memref<1x125x80xi32, #tpu.memory_space<hbm>>
      %dma_start3A_34 = tpu.memref_squeeze %dma_start3A_33 : memref<1x125x80xi32, #tpu.memory_space<hbm>> -> memref<125x80xi32, #tpu.memory_space<hbm>>
      tpu.enqueue_dma source(%dma_start3A_34 : memref<125x80xi32, #tpu.memory_space<hbm>>) target(%arg8 : memref<125x80xi32, #tpu.memory_space<vmem>>) target_semaphore(%run_scoped3A_26 : memref<!tpu.dma_semaphore, #tpu.memory_space<semaphore_mem>>)
      %dma_wait3A_35 = arith.constant 0 : i32
      %dma_wait3A_36 = arith.constant 0 : i32
      %dma_wait3A_37 = tpu.memref_slice %arg4[%add3A, %dma_wait3A_35, %dma_wait3A_36] : memref<32x125x80xi32, #tpu.memory_space<hbm>> -> memref<1x125x80xi32, #tpu.memory_space<hbm>>
      %dma_wait3A_38 = tpu.memref_squeeze %dma_wait3A_37 : memref<1x125x80xi32, #tpu.memory_space<hbm>> -> memref<125x80xi32, #tpu.memory_space<hbm>>
      %dma_wait3A_39 = arith.constant 0 : i32
      %dma_wait3A_40 = arith.constant 0 : i32
      %dma_wait3A_41 = tpu.memref_slice %arg4[%add3A, %dma_wait3A_39, %dma_wait3A_40] : memref<32x125x80xi32, #tpu.memory_space<hbm>> -> memref<1x125x80xi32, #tpu.memory_space<hbm>>
      %dma_wait3A_42 = tpu.memref_squeeze %dma_wait3A_41 : memref<1x125x80xi32, #tpu.memory_space<hbm>> -> memref<125x80xi32, #tpu.memory_space<hbm>>
      tpu.wait_dma2 semaphore(%run_scoped3A_26 : memref<!tpu.dma_semaphore, #tpu.memory_space<semaphore_mem>>) src(%dma_wait3A_42 : memref<125x80xi32, #tpu.memory_space<hbm>>) dst(%arg8 : memref<125x80xi32, #tpu.memory_space<vmem>>)
      tpu.yield
    }) : () -> ()
    %eq3A = arith.constant 0 : i32
    %eq3A_1 = arith.cmpi eq, %arg0, %eq3A : i32
    %convert_element_type3A = arith.extui %eq3A_1 : i1 to i32
    %cond3A = arith.constant 0 : i32
    %cond3A_2 = arith.cmpi ne, %convert_element_type3A, %cond3A : i32
    scf.if %cond3A_2 {
      %lt3A = arith.constant 15 : i32
      %lt3A_26 = arith.cmpi slt, %arg1, %lt3A : i32
      %convert_element_type3A_27 = arith.extui %lt3A_26 : i1 to i32
      %cond3A_28 = arith.constant 0 : i32
      %cond3A_29 = arith.cmpi ne, %convert_element_type3A_27, %cond3A_28 : i32
      scf.if %cond3A_29 {
        %mul3A_35 = arith.constant 632 : i32
        %mul3A_36 = arith.muli %arg1, %mul3A_35 : i32
        %mul3A_37 = arith.constant 632 : i32
        %mul3A_38 = arith.muli %arg1, %mul3A_37 : i32
        "tpu.region"() ({
          %run_scoped3A_39 = tpu.sem_alloc : memref<!tpu.dma_semaphore, #tpu.memory_space<semaphore_mem>>
          %dma_start3A_40 = arith.constant 0 : i32
          %dma_start3A_41 = tpu.memref_slice %arg11[%mul3A_38, %dma_start3A_40] : memref<10112x128xf32, #tpu.memory_space<vmem_shared>> -> memref<632x128xf32, #tpu.memory_space<vmem_shared>>
          %dma_start3A_42 = arith.constant 0 : i32
          %dma_start3A_43 = tpu.memref_slice %arg2[%mul3A_36, %dma_start3A_42] : memref<10000x128xf32, #tpu.memory_space<hbm>> -> memref<632x128xf32, #tpu.memory_space<hbm>>
          tpu.enqueue_dma source(%dma_start3A_43 : memref<632x128xf32, #tpu.memory_space<hbm>>) target(%dma_start3A_41 : memref<632x128xf32, #tpu.memory_space<vmem_shared>>) target_semaphore(%run_scoped3A_39 : memref<!tpu.dma_semaphore, #tpu.memory_space<semaphore_mem>>)
          %dma_wait3A_44 = arith.constant 0 : i32
          %dma_wait3A_45 = tpu.memref_slice %arg11[%mul3A_38, %dma_wait3A_44] : memref<10112x128xf32, #tpu.memory_space<vmem_shared>> -> memref<632x128xf32, #tpu.memory_space<vmem_shared>>
          %dma_wait3A_46 = arith.constant 0 : i32
          %dma_wait3A_47 = tpu.memref_slice %arg2[%mul3A_36, %dma_wait3A_46] : memref<10000x128xf32, #tpu.memory_space<hbm>> -> memref<632x128xf32, #tpu.memory_space<hbm>>
          tpu.wait_dma2 semaphore(%run_scoped3A_39 : memref<!tpu.dma_semaphore, #tpu.memory_space<semaphore_mem>>) src(%dma_wait3A_47 : memref<632x128xf32, #tpu.memory_space<hbm>>) dst(%dma_wait3A_45 : memref<632x128xf32, #tpu.memory_space<vmem_shared>>)
          tpu.yield
        }) : () -> ()
      } else {
      }
      %eq3A_30 = arith.constant 15 : i32
      %eq3A_31 = arith.cmpi eq, %arg1, %eq3A_30 : i32
      %convert_element_type3A_32 = arith.extui %eq3A_31 : i1 to i32
      %cond3A_33 = arith.constant 0 : i32
      %cond3A_34 = arith.cmpi ne, %convert_element_type3A_32, %cond3A_33 : i32
      scf.if %cond3A_34 {
        "tpu.region"() ({
          %run_scoped3A_35 = tpu.sem_alloc : memref<!tpu.dma_semaphore, #tpu.memory_space<semaphore_mem>>
          %dma_start3A_36 = arith.constant 9480 : i32
          %dma_start3A_37 = arith.constant 0 : i32
          %dma_start3A_38 = tpu.memref_slice %arg11[%dma_start3A_36, %dma_start3A_37] : memref<10112x128xf32, #tpu.memory_space<vmem_shared>> -> memref<520x128xf32, #tpu.memory_space<vmem_shared>>
          %dma_start3A_39 = arith.constant 9480 : i32
          %dma_start3A_40 = arith.constant 0 : i32
          %dma_start3A_41 = tpu.memref_slice %arg2[%dma_start3A_39, %dma_start3A_40] : memref<10000x128xf32, #tpu.memory_space<hbm>> -> memref<520x128xf32, #tpu.memory_space<hbm>>
          tpu.enqueue_dma source(%dma_start3A_41 : memref<520x128xf32, #tpu.memory_space<hbm>>) target(%dma_start3A_38 : memref<520x128xf32, #tpu.memory_space<vmem_shared>>) target_semaphore(%run_scoped3A_35 : memref<!tpu.dma_semaphore, #tpu.memory_space<semaphore_mem>>)
          %dma_wait3A_42 = arith.constant 9480 : i32
          %dma_wait3A_43 = arith.constant 0 : i32
          %dma_wait3A_44 = tpu.memref_slice %arg11[%dma_wait3A_42, %dma_wait3A_43] : memref<10112x128xf32, #tpu.memory_space<vmem_shared>> -> memref<520x128xf32, #tpu.memory_space<vmem_shared>>
          %dma_wait3A_45 = arith.constant 9480 : i32
          %dma_wait3A_46 = arith.constant 0 : i32
          %dma_wait3A_47 = tpu.memref_slice %arg2[%dma_wait3A_45, %dma_wait3A_46] : memref<10000x128xf32, #tpu.memory_space<hbm>> -> memref<520x128xf32, #tpu.memory_space<hbm>>
          tpu.wait_dma2 semaphore(%run_scoped3A_35 : memref<!tpu.dma_semaphore, #tpu.memory_space<semaphore_mem>>) src(%dma_wait3A_47 : memref<520x128xf32, #tpu.memory_space<hbm>>) dst(%dma_wait3A_44 : memref<520x128xf32, #tpu.memory_space<vmem_shared>>)
          tpu.yield
        }) : () -> ()
        "tpu.region"() ({
          %run_scoped3A_35 = tpu.sem_alloc : memref<!tpu.dma_semaphore, #tpu.memory_space<semaphore_mem>>
          %dma_start3A_36 = arith.constant 10000 : i32
          %dma_start3A_37 = arith.constant 0 : i32
          %dma_start3A_38 = tpu.memref_slice %arg11[%dma_start3A_36, %dma_start3A_37] : memref<10112x128xf32, #tpu.memory_space<vmem_shared>> -> memref<112x128xf32, #tpu.memory_space<vmem_shared>>
          %dma_start3A_39 = arith.constant 0 : i32
          %dma_start3A_40 = arith.constant 0 : i32
          %dma_start3A_41 = tpu.memref_slice %arg5[%dma_start3A_39, %dma_start3A_40] : memref<632x128xf32, #tpu.memory_space<hbm>> -> memref<112x128xf32, #tpu.memory_space<hbm>>
          tpu.enqueue_dma source(%dma_start3A_41 : memref<112x128xf32, #tpu.memory_space<hbm>>) target(%dma_start3A_38 : memref<112x128xf32, #tpu.memory_space<vmem_shared>>) target_semaphore(%run_scoped3A_35 : memref<!tpu.dma_semaphore, #tpu.memory_space<semaphore_mem>>)
          %dma_wait3A_42 = arith.constant 10000 : i32
          %dma_wait3A_43 = arith.constant 0 : i32
          %dma_wait3A_44 = tpu.memref_slice %arg11[%dma_wait3A_42, %dma_wait3A_43] : memref<10112x128xf32, #tpu.memory_space<vmem_shared>> -> memref<112x128xf32, #tpu.memory_space<vmem_shared>>
          %dma_wait3A_45 = arith.constant 0 : i32
          %dma_wait3A_46 = arith.constant 0 : i32
          %dma_wait3A_47 = tpu.memref_slice %arg5[%dma_wait3A_45, %dma_wait3A_46] : memref<632x128xf32, #tpu.memory_space<hbm>> -> memref<112x128xf32, #tpu.memory_space<hbm>>
          tpu.wait_dma2 semaphore(%run_scoped3A_35 : memref<!tpu.dma_semaphore, #tpu.memory_space<semaphore_mem>>) src(%dma_wait3A_47 : memref<112x128xf32, #tpu.memory_space<hbm>>) dst(%dma_wait3A_44 : memref<112x128xf32, #tpu.memory_space<vmem_shared>>)
          tpu.yield
        }) : () -> ()
      } else {
      }
    } else {
    }
    %eq3A_3 = arith.constant 1 : i32
    %eq3A_4 = arith.cmpi eq, %arg0, %eq3A_3 : i32
    %convert_element_type3A_5 = arith.extui %eq3A_4 : i1 to i32
    %cond3A_6 = arith.constant 0 : i32
    %cond3A_7 = arith.cmpi ne, %convert_element_type3A_5, %cond3A_6 : i32
    scf.if %cond3A_7 {
      %mul3A_26 = arith.constant 632 : i32
      %mul3A_27 = arith.muli %arg1, %mul3A_26 : i32
      "tpu.region"() ({
        %run_scoped3A_28 = tpu.sem_alloc : memref<!tpu.dma_semaphore, #tpu.memory_space<semaphore_mem>>
        %dma_start3A_29 = arith.constant 0 : i32
        %dma_start3A_30 = tpu.memref_slice %arg11[%mul3A_27, %dma_start3A_29] : memref<10112x128xf32, #tpu.memory_space<vmem_shared>> -> memref<632x128xf32, #tpu.memory_space<vmem_shared>>
        tpu.enqueue_dma source(%arg5 : memref<632x128xf32, #tpu.memory_space<hbm>>) target(%dma_start3A_30 : memref<632x128xf32, #tpu.memory_space<vmem_shared>>) target_semaphore(%run_scoped3A_28 : memref<!tpu.dma_semaphore, #tpu.memory_space<semaphore_mem>>)
        %dma_wait3A_31 = arith.constant 0 : i32
        %dma_wait3A_32 = tpu.memref_slice %arg11[%mul3A_27, %dma_wait3A_31] : memref<10112x128xf32, #tpu.memory_space<vmem_shared>> -> memref<632x128xf32, #tpu.memory_space<vmem_shared>>
        tpu.wait_dma2 semaphore(%run_scoped3A_28 : memref<!tpu.dma_semaphore, #tpu.memory_space<semaphore_mem>>) src(%arg5 : memref<632x128xf32, #tpu.memory_space<hbm>>) dst(%dma_wait3A_32 : memref<632x128xf32, #tpu.memory_space<vmem_shared>>)
        tpu.yield
      }) : () -> ()
    } else {
    }
    %barrier3A = arith.constant 0 : index
    tpu.barrier barrier_id(%barrier3A)
    %dma_start3A = arith.constant 0 : i32
    %dma_start3A_8 = tpu.memref_slice %arg7[%dma_start3A] : memref<10000xi32, #tpu.memory_space<vmem>> -> memref<80xi32, #tpu.memory_space<vmem>>
    %dma_start3A_9 = arith.constant 0 : i32
    %dma_start3A_10 = arith.constant 0 : i32
    %dma_start3A_11 = tpu.memref_slice %arg2[%dma_start3A_9, %dma_start3A_10] : memref<10000x128xf32, #tpu.memory_space<hbm>> -> memref<10000x128xf32, #tpu.memory_space<hbm>>
    tpu.enqueue_indirect_dma source(%dma_start3A_11 : memref<10000x128xf32, #tpu.memory_space<hbm>>) target(%arg9 : memref<80x128xf32, #tpu.memory_space<vmem>>) offsets(%dma_start3A_8 : memref<80xi32, #tpu.memory_space<vmem>>) semaphore(%arg12 : memref<!tpu.dma_semaphore, #tpu.memory_space<semaphore_mem>>)
    %scan3A = arith.constant 0 : i32
    %scan3A_12 = arith.constant 0 : i32
    %scan3A_13 = arith.constant 62 : i32
    %scan3A_14 = arith.addi %scan3A_12, %scan3A_13 : i32
    %scan3A_15 = arith.constant 1 : i32
    scf.for %scan3A_26 = %scan3A_12 to %scan3A_14 step %scan3A_15  : i32 {
      %mul3A_27 = arith.constant 2 : i32
      %mul3A_28 = arith.muli %mul3A_27, %scan3A_26 : i32
      %add3A_29 = arith.constant 1 : i32
      %add3A_30 = arith.addi %mul3A_28, %add3A_29 : i32
      %mul3A_31 = arith.constant 80 : i32
      %mul3A_32 = arith.muli %add3A_30, %mul3A_31 : i32
      %dma_start3A_33 = tpu.memref_slice %arg7[%mul3A_32] : memref<10000xi32, #tpu.memory_space<vmem>> -> memref<80xi32, #tpu.memory_space<vmem>>
      %dma_start3A_34 = arith.constant 0 : i32
      %dma_start3A_35 = arith.constant 0 : i32
      %dma_start3A_36 = tpu.memref_slice %arg2[%dma_start3A_34, %dma_start3A_35] : memref<10000x128xf32, #tpu.memory_space<hbm>> -> memref<10000x128xf32, #tpu.memory_space<hbm>>
      tpu.enqueue_indirect_dma source(%dma_start3A_36 : memref<10000x128xf32, #tpu.memory_space<hbm>>) target(%arg10 : memref<80x128xf32, #tpu.memory_space<vmem>>) offsets(%dma_start3A_33 : memref<80xi32, #tpu.memory_space<vmem>>) semaphore(%arg13 : memref<!tpu.dma_semaphore, #tpu.memory_space<semaphore_mem>>)
      %dma_wait3A_37 = arith.constant 0 : i32
      %dma_wait3A_38 = tpu.memref_slice %arg7[%dma_wait3A_37] : memref<10000xi32, #tpu.memory_space<vmem>> -> memref<80xi32, #tpu.memory_space<vmem>>
      %dma_wait3A_39 = arith.constant 0 : i32
      %dma_wait3A_40 = arith.constant 0 : i32
      %dma_wait3A_41 = tpu.memref_slice %arg2[%dma_wait3A_39, %dma_wait3A_40] : memref<10000x128xf32, #tpu.memory_space<hbm>> -> memref<10000x128xf32, #tpu.memory_space<hbm>>
      tpu.wait_indirect_dma semaphore(%arg12 : memref<!tpu.dma_semaphore, #tpu.memory_space<semaphore_mem>>) src(%dma_wait3A_41 : memref<10000x128xf32, #tpu.memory_space<hbm>>) dst(%arg9 : memref<80x128xf32, #tpu.memory_space<vmem>>)
      %mul3A_42 = arith.constant 2 : i32
      %mul3A_43 = arith.muli %mul3A_42, %scan3A_26 : i32
      "tpu.region"() ({
        %run_scoped3A_63 = tpu.sem_alloc : memref<!tpu.dma_semaphore, #tpu.memory_space<semaphore_mem>>
        %dma_start3A_64 = arith.constant 0 : i32
        %dma_start3A_65 = tpu.memref_slice %arg8[%mul3A_43, %dma_start3A_64] : memref<125x80xi32, #tpu.memory_space<vmem>> -> memref<1x80xi32, #tpu.memory_space<vmem>>
        %dma_start3A_66 = tpu.memref_squeeze %dma_start3A_65 : memref<1x80xi32, #tpu.memory_space<vmem>> -> memref<80xi32, #tpu.memory_space<vmem>>
        %dma_start3A_67 = arith.constant 0 : i32
        %dma_start3A_68 = arith.constant 0 : i32
        %dma_start3A_69 = tpu.memref_slice %arg11[%dma_start3A_67, %dma_start3A_68] : memref<10112x128xf32, #tpu.memory_space<vmem_shared>> -> memref<10112x128xf32, #tpu.memory_space<vmem_shared>>
        tpu.enqueue_indirect_dma source(%arg9 : memref<80x128xf32, #tpu.memory_space<vmem>>) target(%dma_start3A_69 : memref<10112x128xf32, #tpu.memory_space<vmem_shared>>) offsets(%dma_start3A_66 : memref<80xi32, #tpu.memory_space<vmem>>) semaphore(%run_scoped3A_63 : memref<!tpu.dma_semaphore, #tpu.memory_space<semaphore_mem>>) {add = true}
        %dma_wait3A_70 = arith.constant 0 : i32
        %dma_wait3A_71 = tpu.memref_slice %arg8[%mul3A_43, %dma_wait3A_70] : memref<125x80xi32, #tpu.memory_space<vmem>> -> memref<1x80xi32, #tpu.memory_space<vmem>>
        %dma_wait3A_72 = tpu.memref_squeeze %dma_wait3A_71 : memref<1x80xi32, #tpu.memory_space<vmem>> -> memref<80xi32, #tpu.memory_space<vmem>>
        %dma_wait3A_73 = arith.constant 0 : i32
        %dma_wait3A_74 = arith.constant 0 : i32
        %dma_wait3A_75 = tpu.memref_slice %arg11[%dma_wait3A_73, %dma_wait3A_74] : memref<10112x128xf32, #tpu.memory_space<vmem_shared>> -> memref<10112x128xf32, #tpu.memory_space<vmem_shared>>
        tpu.wait_indirect_dma semaphore(%run_scoped3A_63 : memref<!tpu.dma_semaphore, #tpu.memory_space<semaphore_mem>>) src(%arg9 : memref<80x128xf32, #tpu.memory_space<vmem>>) dst(%dma_wait3A_75 : memref<10112x128xf32, #tpu.memory_space<vmem_shared>>)
        tpu.yield
      }) : () -> ()
      %mul3A_44 = arith.constant 2 : i32
      %mul3A_45 = arith.muli %mul3A_44, %scan3A_26 : i32
      %add3A_46 = arith.constant 2 : i32
      %add3A_47 = arith.addi %mul3A_45, %add3A_46 : i32
      %mul3A_48 = arith.constant 80 : i32
      %mul3A_49 = arith.muli %add3A_47, %mul3A_48 : i32
      %dma_start3A_50 = tpu.memref_slice %arg7[%mul3A_49] : memref<10000xi32, #tpu.memory_space<vmem>> -> memref<80xi32, #tpu.memory_space<vmem>>
      %dma_start3A_51 = arith.constant 0 : i32
      %dma_start3A_52 = arith.constant 0 : i32
      %dma_start3A_53 = tpu.memref_slice %arg2[%dma_start3A_51, %dma_start3A_52] : memref<10000x128xf32, #tpu.memory_space<hbm>> -> memref<10000x128xf32, #tpu.memory_space<hbm>>
      tpu.enqueue_indirect_dma source(%dma_start3A_53 : memref<10000x128xf32, #tpu.memory_space<hbm>>) target(%arg9 : memref<80x128xf32, #tpu.memory_space<vmem>>) offsets(%dma_start3A_50 : memref<80xi32, #tpu.memory_space<vmem>>) semaphore(%arg12 : memref<!tpu.dma_semaphore, #tpu.memory_space<semaphore_mem>>)
      %dma_wait3A_54 = arith.constant 0 : i32
      %dma_wait3A_55 = tpu.memref_slice %arg7[%dma_wait3A_54] : memref<10000xi32, #tpu.memory_space<vmem>> -> memref<80xi32, #tpu.memory_space<vmem>>
      %dma_wait3A_56 = arith.constant 0 : i32
      %dma_wait3A_57 = arith.constant 0 : i32
      %dma_wait3A_58 = tpu.memref_slice %arg2[%dma_wait3A_56, %dma_wait3A_57] : memref<10000x128xf32, #tpu.memory_space<hbm>> -> memref<10000x128xf32, #tpu.memory_space<hbm>>
      tpu.wait_indirect_dma semaphore(%arg13 : memref<!tpu.dma_semaphore, #tpu.memory_space<semaphore_mem>>) src(%dma_wait3A_58 : memref<10000x128xf32, #tpu.memory_space<hbm>>) dst(%arg10 : memref<80x128xf32, #tpu.memory_space<vmem>>)
      %mul3A_59 = arith.constant 2 : i32
      %mul3A_60 = arith.muli %mul3A_59, %scan3A_26 : i32
      %add3A_61 = arith.constant 1 : i32
      %add3A_62 = arith.addi %mul3A_60, %add3A_61 : i32
      "tpu.region"() ({
        %run_scoped3A_63 = tpu.sem_alloc : memref<!tpu.dma_semaphore, #tpu.memory_space<semaphore_mem>>
        %dma_start3A_64 = arith.constant 0 : i32
        %dma_start3A_65 = tpu.memref_slice %arg8[%add3A_62, %dma_start3A_64] : memref<125x80xi32, #tpu.memory_space<vmem>> -> memref<1x80xi32, #tpu.memory_space<vmem>>
        %dma_start3A_66 = tpu.memref_squeeze %dma_start3A_65 : memref<1x80xi32, #tpu.memory_space<vmem>> -> memref<80xi32, #tpu.memory_space<vmem>>
        %dma_start3A_67 = arith.constant 0 : i32
        %dma_start3A_68 = arith.constant 0 : i32
        %dma_start3A_69 = tpu.memref_slice %arg11[%dma_start3A_67, %dma_start3A_68] : memref<10112x128xf32, #tpu.memory_space<vmem_shared>> -> memref<10112x128xf32, #tpu.memory_space<vmem_shared>>
        tpu.enqueue_indirect_dma source(%arg10 : memref<80x128xf32, #tpu.memory_space<vmem>>) target(%dma_start3A_69 : memref<10112x128xf32, #tpu.memory_space<vmem_shared>>) offsets(%dma_start3A_66 : memref<80xi32, #tpu.memory_space<vmem>>) semaphore(%run_scoped3A_63 : memref<!tpu.dma_semaphore, #tpu.memory_space<semaphore_mem>>) {add = true}
        %dma_wait3A_70 = arith.constant 0 : i32
        %dma_wait3A_71 = tpu.memref_slice %arg8[%add3A_62, %dma_wait3A_70] : memref<125x80xi32, #tpu.memory_space<vmem>> -> memref<1x80xi32, #tpu.memory_space<vmem>>
        %dma_wait3A_72 = tpu.memref_squeeze %dma_wait3A_71 : memref<1x80xi32, #tpu.memory_space<vmem>> -> memref<80xi32, #tpu.memory_space<vmem>>
        %dma_wait3A_73 = arith.constant 0 : i32
        %dma_wait3A_74 = arith.constant 0 : i32
        %dma_wait3A_75 = tpu.memref_slice %arg11[%dma_wait3A_73, %dma_wait3A_74] : memref<10112x128xf32, #tpu.memory_space<vmem_shared>> -> memref<10112x128xf32, #tpu.memory_space<vmem_shared>>
        tpu.wait_indirect_dma semaphore(%run_scoped3A_63 : memref<!tpu.dma_semaphore, #tpu.memory_space<semaphore_mem>>) src(%arg10 : memref<80x128xf32, #tpu.memory_space<vmem>>) dst(%dma_wait3A_75 : memref<10112x128xf32, #tpu.memory_space<vmem_shared>>)
        tpu.yield
      }) : () -> ()
    }
    %scan3A_16 = arith.constant 62 : i32
    %dma_wait3A = arith.constant 0 : i32
    %dma_wait3A_17 = tpu.memref_slice %arg7[%dma_wait3A] : memref<10000xi32, #tpu.memory_space<vmem>> -> memref<80xi32, #tpu.memory_space<vmem>>
    %dma_wait3A_18 = arith.constant 0 : i32
    %dma_wait3A_19 = arith.constant 0 : i32
    %dma_wait3A_20 = tpu.memref_slice %arg2[%dma_wait3A_18, %dma_wait3A_19] : memref<10000x128xf32, #tpu.memory_space<hbm>> -> memref<10000x128xf32, #tpu.memory_space<hbm>>
    tpu.wait_indirect_dma semaphore(%arg12 : memref<!tpu.dma_semaphore, #tpu.memory_space<semaphore_mem>>) src(%dma_wait3A_20 : memref<10000x128xf32, #tpu.memory_space<hbm>>) dst(%arg9 : memref<80x128xf32, #tpu.memory_space<vmem>>)
    %run_scoped3A = arith.constant 124 : i32
    "tpu.region"() ({
      %run_scoped3A_26 = tpu.sem_alloc : memref<!tpu.dma_semaphore, #tpu.memory_space<semaphore_mem>>
      %dma_start3A_27 = arith.constant 0 : i32
      %dma_start3A_28 = tpu.memref_slice %arg8[%run_scoped3A, %dma_start3A_27] : memref<125x80xi32, #tpu.memory_space<vmem>> -> memref<1x80xi32, #tpu.memory_space<vmem>>
      %dma_start3A_29 = tpu.memref_squeeze %dma_start3A_28 : memref<1x80xi32, #tpu.memory_space<vmem>> -> memref<80xi32, #tpu.memory_space<vmem>>
      %dma_start3A_30 = arith.constant 0 : i32
      %dma_start3A_31 = arith.constant 0 : i32
      %dma_start3A_32 = tpu.memref_slice %arg11[%dma_start3A_30, %dma_start3A_31] : memref<10112x128xf32, #tpu.memory_space<vmem_shared>> -> memref<10112x128xf32, #tpu.memory_space<vmem_shared>>
      tpu.enqueue_indirect_dma source(%arg9 : memref<80x128xf32, #tpu.memory_space<vmem>>) target(%dma_start3A_32 : memref<10112x128xf32, #tpu.memory_space<vmem_shared>>) offsets(%dma_start3A_29 : memref<80xi32, #tpu.memory_space<vmem>>) semaphore(%run_scoped3A_26 : memref<!tpu.dma_semaphore, #tpu.memory_space<semaphore_mem>>) {add = true}
      %dma_wait3A_33 = arith.constant 0 : i32
      %dma_wait3A_34 = tpu.memref_slice %arg8[%run_scoped3A, %dma_wait3A_33] : memref<125x80xi32, #tpu.memory_space<vmem>> -> memref<1x80xi32, #tpu.memory_space<vmem>>
      %dma_wait3A_35 = tpu.memref_squeeze %dma_wait3A_34 : memref<1x80xi32, #tpu.memory_space<vmem>> -> memref<80xi32, #tpu.memory_space<vmem>>
      %dma_wait3A_36 = arith.constant 0 : i32
      %dma_wait3A_37 = arith.constant 0 : i32
      %dma_wait3A_38 = tpu.memref_slice %arg11[%dma_wait3A_36, %dma_wait3A_37] : memref<10112x128xf32, #tpu.memory_space<vmem_shared>> -> memref<10112x128xf32, #tpu.memory_space<vmem_shared>>
      tpu.wait_indirect_dma semaphore(%run_scoped3A_26 : memref<!tpu.dma_semaphore, #tpu.memory_space<semaphore_mem>>) src(%arg9 : memref<80x128xf32, #tpu.memory_space<vmem>>) dst(%dma_wait3A_38 : memref<10112x128xf32, #tpu.memory_space<vmem_shared>>)
      tpu.yield
    }) : () -> ()
    %barrier3A_21 = arith.constant 0 : index
    tpu.barrier barrier_id(%barrier3A_21)
    %mul3A_22 = arith.constant 632 : i32
    %mul3A_23 = arith.muli %arg1, %mul3A_22 : i32
    %mul3A_24 = arith.constant 632 : i32
    %mul3A_25 = arith.muli %arg1, %mul3A_24 : i32
    "tpu.region"() ({
      %run_scoped3A_26 = tpu.sem_alloc : memref<!tpu.dma_semaphore, #tpu.memory_space<semaphore_mem>>
      %dma_start3A_27 = arith.constant 0 : i32
      %dma_start3A_28 = tpu.memref_slice %arg6[%arg0, %mul3A_25, %dma_start3A_27] : memref<2x10112x128xf32, #tpu.memory_space<hbm>> -> memref<1x632x128xf32, #tpu.memory_space<hbm>>
      %dma_start3A_29 = tpu.memref_squeeze %dma_start3A_28 : memref<1x632x128xf32, #tpu.memory_space<hbm>> -> memref<632x128xf32, #tpu.memory_space<hbm>>
      %dma_start3A_30 = arith.constant 0 : i32
      %dma_start3A_31 = tpu.memref_slice %arg11[%mul3A_23, %dma_start3A_30] : memref<10112x128xf32, #tpu.memory_space<vmem_shared>> -> memref<632x128xf32, #tpu.memory_space<vmem_shared>>
      tpu.enqueue_dma source(%dma_start3A_31 : memref<632x128xf32, #tpu.memory_space<vmem_shared>>) target(%dma_start3A_29 : memref<632x128xf32, #tpu.memory_space<hbm>>) target_semaphore(%run_scoped3A_26 : memref<!tpu.dma_semaphore, #tpu.memory_space<semaphore_mem>>)
      %dma_wait3A_32 = arith.constant 0 : i32
      %dma_wait3A_33 = tpu.memref_slice %arg6[%arg0, %mul3A_25, %dma_wait3A_32] : memref<2x10112x128xf32, #tpu.memory_space<hbm>> -> memref<1x632x128xf32, #tpu.memory_space<hbm>>
      %dma_wait3A_34 = tpu.memref_squeeze %dma_wait3A_33 : memref<1x632x128xf32, #tpu.memory_space<hbm>> -> memref<632x128xf32, #tpu.memory_space<hbm>>
      %dma_wait3A_35 = arith.constant 0 : i32
      %dma_wait3A_36 = tpu.memref_slice %arg11[%mul3A_23, %dma_wait3A_35] : memref<10112x128xf32, #tpu.memory_space<vmem_shared>> -> memref<632x128xf32, #tpu.memory_space<vmem_shared>>
      tpu.wait_dma2 semaphore(%run_scoped3A_26 : memref<!tpu.dma_semaphore, #tpu.memory_space<semaphore_mem>>) src(%dma_wait3A_36 : memref<632x128xf32, #tpu.memory_space<vmem_shared>>) dst(%dma_wait3A_34 : memref<632x128xf32, #tpu.memory_space<hbm>>)
      tpu.yield
    }) : () -> ()
    return
  }
}

module attributes {stable_mosaic.version = 14 : i64} {
  func.func @_proj_body(%arg0: i32, %arg1: memref<2000x128xf32, #tpu.memory_space<vmem>>, %arg2: memref<128x128xf32, #tpu.memory_space<vmem>>, %arg3: memref<1x128xf32, #tpu.memory_space<vmem>>, %arg4: memref<2000x128xf32, #tpu.memory_space<vmem>>) attributes {dimension_semantics = [#tpu.dimension_semantics<arbitrary>], iteration_bounds = array<i64: 5>, scalar_prefetch = 0 : i64, scratch_operands = 0 : i64, tpu.core_type = #tpu.core_type<tc>, window_params = [{transform_indices = @transform_0, window_bounds = array<i64: 2000, 128>}, {pipeline_mode = #tpu.pipeline_mode<synchronous>, transform_indices = @transform_1, window_bounds = array<i64: 128, 128>}, {pipeline_mode = #tpu.pipeline_mode<synchronous>, transform_indices = @transform_2, window_bounds = array<i64: 1, 128>}, {transform_indices = @transform_3, window_bounds = array<i64: 2000, 128>}]} {
    %get3A = arith.constant 0 : index
    %get3A_0 = arith.constant 0 : index
    %get3A_1 = vector.load %arg1[%get3A, %get3A_0] : memref<2000x128xf32, #tpu.memory_space<vmem>>, vector<2000x128xf32>
    %get3A_2 = arith.constant 0 : index
    %get3A_3 = arith.constant 0 : index
    %get3A_4 = vector.load %arg2[%get3A_2, %get3A_3] : memref<128x128xf32, #tpu.memory_space<vmem>>, vector<128x128xf32>
    %dot_general3A = arith.constant dense<0.000000e+00> : vector<2000x128xf32>
    %dot_general3A_5 = tpu.matmul %get3A_1, %get3A_4, %dot_general3A {dimension_numbers = #tpu.dot_dimension_numbers<[1], [1], [0], [0], [0, 0, 1, 0], [], []>, precision = #tpu.contract_precision<fp32>, transpose_lhs_hint = false} : vector<2000x128xf32>, vector<128x128xf32>, vector<2000x128xf32> -> vector<2000x128xf32>
    %get3A_6 = arith.constant 0 : index
    %get3A_7 = arith.constant 0 : index
    %get3A_8 = vector.load %arg3[%get3A_6, %get3A_7] : memref<1x128xf32, #tpu.memory_space<vmem>>, vector<1x128xf32>
    %add3A = vector.broadcast %get3A_8 : vector<1x128xf32> to vector<2000x128xf32>
    %add3A_9 = arith.addf %dot_general3A_5, %add3A : vector<2000x128xf32>
    %max3A = arith.constant 0.000000e+00 : f32
    %max3A_10 = vector.broadcast %max3A : f32 to vector<2000x128xf32>
    %max3A_11 = arith.maximumf %add3A_9, %max3A_10 : vector<2000x128xf32>
    %swap3A = arith.constant 0 : index
    %swap3A_12 = arith.constant 0 : index
    %swap3A_13 = vector.load %arg4[%swap3A, %swap3A_12] : memref<2000x128xf32, #tpu.memory_space<vmem>>, vector<2000x128xf32>
    tpu.vector_store %arg4[%swap3A, %swap3A_12], %max3A_11 {strides = array<i32>} : memref<2000x128xf32, #tpu.memory_space<vmem>>, vector<2000x128xf32>,
    return
  }
  func.func @transform_0(%arg0: i32) -> (i32, i32) {
    %c0_i32 = arith.constant 0 : i32
    %c0_i32_0 = arith.constant 0 : i32
    return %arg0, %c0_i32 : i32, i32
  }
  func.func @transform_1(%arg0: i32) -> (i32, i32) {
    %c0_i32 = arith.constant 0 : i32
    %c0_i32_0 = arith.constant 0 : i32
    %c0_i32_1 = arith.constant 0 : i32
    return %c0_i32, %c0_i32_0 : i32, i32
  }
  func.func @transform_2(%arg0: i32) -> (i32, i32) {
    %c0_i32 = arith.constant 0 : i32
    %c0_i32_0 = arith.constant 0 : i32
    %c0_i32_1 = arith.constant 0 : i32
    return %c0_i32, %c0_i32_0 : i32, i32
  }
  func.func @transform_3(%arg0: i32) -> (i32, i32) {
    %c0_i32 = arith.constant 0 : i32
    %c0_i32_0 = arith.constant 0 : i32
    return %arg0, %c0_i32 : i32, i32
  }
}

module attributes {stable_mosaic.version = 14 : i64} {
  func.func @_layer_body(%arg0: i32, %arg1: memref<2x2000x128xf32, #tpu.memory_space<vmem>>, %arg2: memref<128x128xf32, #tpu.memory_space<vmem>>, %arg3: memref<1x128xf32, #tpu.memory_space<vmem>>, %arg4: memref<1x128xf32, #tpu.memory_space<vmem>>, %arg5: memref<1x128xf32, #tpu.memory_space<vmem>>, %arg6: memref<2000x128xf32, #tpu.memory_space<vmem>>) attributes {dimension_semantics = [#tpu.dimension_semantics<arbitrary>], iteration_bounds = array<i64: 5>, scalar_prefetch = 0 : i64, scratch_operands = 0 : i64, tpu.core_type = #tpu.core_type<tc>, window_params = [{transform_indices = @transform_0, window_bounds = array<i64: 2, 2000, 128>}, {pipeline_mode = #tpu.pipeline_mode<synchronous>, transform_indices = @transform_1, window_bounds = array<i64: 128, 128>}, {pipeline_mode = #tpu.pipeline_mode<synchronous>, transform_indices = @transform_2, window_bounds = array<i64: 1, 128>}, {pipeline_mode = #tpu.pipeline_mode<synchronous>, transform_indices = @transform_3, window_bounds = array<i64: 1, 128>}, {pipeline_mode = #tpu.pipeline_mode<synchronous>, transform_indices = @transform_4, window_bounds = array<i64: 1, 128>}, {transform_indices = @transform_5, window_bounds = array<i64: 2000, 128>}]} {
    %get3A = arith.constant 0 : index
    %get3A_0 = arith.constant 0 : index
    %get3A_1 = arith.constant 0 : index
    %get3A_2 = vector.load %arg1[%get3A, %get3A_0, %get3A_1] : memref<2x2000x128xf32, #tpu.memory_space<vmem>>, vector<1x2000x128xf32>
    %get3A_3 = vector.shape_cast %get3A_2 : vector<1x2000x128xf32> to vector<2000x128xf32>
    %get3A_4 = arith.constant 1 : index
    %get3A_5 = arith.constant 0 : index
    %get3A_6 = arith.constant 0 : index
    %get3A_7 = vector.load %arg1[%get3A_4, %get3A_5, %get3A_6] : memref<2x2000x128xf32, #tpu.memory_space<vmem>>, vector<1x2000x128xf32>
    %get3A_8 = vector.shape_cast %get3A_7 : vector<1x2000x128xf32> to vector<2000x128xf32>
    %add3A = arith.addf %get3A_3, %get3A_8 : vector<2000x128xf32>
    %get3A_9 = arith.constant 0 : index
    %get3A_10 = arith.constant 0 : index
    %get3A_11 = vector.load %arg2[%get3A_9, %get3A_10] : memref<128x128xf32, #tpu.memory_space<vmem>>, vector<128x128xf32>
    %dot_general3A = arith.constant dense<0.000000e+00> : vector<2000x128xf32>
    %dot_general3A_12 = tpu.matmul %add3A, %get3A_11, %dot_general3A {dimension_numbers = #tpu.dot_dimension_numbers<[1], [1], [0], [0], [0, 0, 1, 0], [], []>, precision = #tpu.contract_precision<fp32>, transpose_lhs_hint = false} : vector<2000x128xf32>, vector<128x128xf32>, vector<2000x128xf32> -> vector<2000x128xf32>
    %get3A_13 = arith.constant 0 : index
    %get3A_14 = arith.constant 0 : index
    %get3A_15 = vector.load %arg3[%get3A_13, %get3A_14] : memref<1x128xf32, #tpu.memory_space<vmem>>, vector<1x128xf32>
    %add3A_16 = vector.broadcast %get3A_15 : vector<1x128xf32> to vector<2000x128xf32>
    %add3A_17 = arith.addf %dot_general3A_12, %add3A_16 : vector<2000x128xf32>
    %max3A = arith.constant 0.000000e+00 : f32
    %max3A_18 = vector.broadcast %max3A : f32 to vector<2000x128xf32>
    %max3A_19 = arith.maximumf %add3A_17, %max3A_18 : vector<2000x128xf32>
    %reduce_sum3A = arith.constant dense<0.000000e+00> : vector<2000xf32>
    %reduce_sum3A_20 = vector.multi_reduction <add>, %max3A_19, %reduce_sum3A [1] : vector<2000x128xf32> to vector<2000xf32>
    %broadcast_in_dim3A = vector.shape_cast %reduce_sum3A_20 : vector<2000xf32> to vector<2000x1xf32>
    %div3A = arith.constant 1.280000e+02 : f32
    %div3A_21 = vector.broadcast %div3A : f32 to vector<2000x1xf32>
    %div3A_22 = arith.divf %broadcast_in_dim3A, %div3A_21 : vector<2000x1xf32>
    %sub3A = vector.broadcast %div3A_22 : vector<2000x1xf32> to vector<2000x128xf32>
    %sub3A_23 = arith.subf %max3A_19, %sub3A : vector<2000x128xf32>
    %integer_pow3A = arith.mulf %sub3A_23, %sub3A_23 : vector<2000x128xf32>
    %reduce_sum3A_24 = arith.constant dense<0.000000e+00> : vector<2000xf32>
    %reduce_sum3A_25 = vector.multi_reduction <add>, %integer_pow3A, %reduce_sum3A_24 [1] : vector<2000x128xf32> to vector<2000xf32>
    %broadcast_in_dim3A_26 = vector.shape_cast %reduce_sum3A_25 : vector<2000xf32> to vector<2000x1xf32>
    %div3A_27 = arith.constant 1.280000e+02 : f32
    %div3A_28 = vector.broadcast %div3A_27 : f32 to vector<2000x1xf32>
    %div3A_29 = arith.divf %broadcast_in_dim3A_26, %div3A_28 : vector<2000x1xf32>
    %sub3A_30 = vector.broadcast %div3A_22 : vector<2000x1xf32> to vector<2000x128xf32>
    %sub3A_31 = arith.subf %max3A_19, %sub3A_30 : vector<2000x128xf32>
    %add3A_32 = arith.constant 9.99999974E-6 : f32
    %add3A_33 = vector.broadcast %add3A_32 : f32 to vector<2000x1xf32>
    %add3A_34 = arith.addf %div3A_29, %add3A_33 : vector<2000x1xf32>
    %sqrt3A = math.sqrt %add3A_34 : vector<2000x1xf32>
    %div3A_35 = vector.broadcast %sqrt3A : vector<2000x1xf32> to vector<2000x128xf32>
    %div3A_36 = arith.divf %sub3A_31, %div3A_35 : vector<2000x128xf32>
    %get3A_37 = arith.constant 0 : index
    %get3A_38 = arith.constant 0 : index
    %get3A_39 = vector.load %arg4[%get3A_37, %get3A_38] : memref<1x128xf32, #tpu.memory_space<vmem>>, vector<1x128xf32>
    %mul3A = vector.broadcast %get3A_39 : vector<1x128xf32> to vector<2000x128xf32>
    %mul3A_40 = arith.mulf %div3A_36, %mul3A : vector<2000x128xf32>
    %get3A_41 = arith.constant 0 : index
    %get3A_42 = arith.constant 0 : index
    %get3A_43 = vector.load %arg5[%get3A_41, %get3A_42] : memref<1x128xf32, #tpu.memory_space<vmem>>, vector<1x128xf32>
    %add3A_44 = vector.broadcast %get3A_43 : vector<1x128xf32> to vector<2000x128xf32>
    %add3A_45 = arith.addf %mul3A_40, %add3A_44 : vector<2000x128xf32>
    %swap3A = arith.constant 0 : index
    %swap3A_46 = arith.constant 0 : index
    %swap3A_47 = vector.load %arg6[%swap3A, %swap3A_46] : memref<2000x128xf32, #tpu.memory_space<vmem>>, vector<2000x128xf32>
    tpu.vector_store %arg6[%swap3A, %swap3A_46], %add3A_45 {strides = array<i32>} : memref<2000x128xf32, #tpu.memory_space<vmem>>, vector<2000x128xf32>,
    return
  }
  func.func @transform_0(%arg0: i32) -> (i32, i32, i32) {
    %c0_i32 = arith.constant 0 : i32
    %c0_i32_0 = arith.constant 0 : i32
    %c0_i32_1 = arith.constant 0 : i32
    return %c0_i32, %arg0, %c0_i32_0 : i32, i32, i32
  }
  func.func @transform_1(%arg0: i32) -> (i32, i32) {
    %c0_i32 = arith.constant 0 : i32
    %c0_i32_0 = arith.constant 0 : i32
    %c0_i32_1 = arith.constant 0 : i32
    return %c0_i32, %c0_i32_0 : i32, i32
  }
  func.func @transform_2(%arg0: i32) -> (i32, i32) {
    %c0_i32 = arith.constant 0 : i32
    %c0_i32_0 = arith.constant 0 : i32
    %c0_i32_1 = arith.constant 0 : i32
    return %c0_i32, %c0_i32_0 : i32, i32
  }
  func.func @transform_3(%arg0: i32) -> (i32, i32) {
    %c0_i32 = arith.constant 0 : i32
    %c0_i32_0 = arith.constant 0 : i32
    %c0_i32_1 = arith.constant 0 : i32
    return %c0_i32, %c0_i32_0 : i32, i32
  }
  func.func @transform_4(%arg0: i32) -> (i32, i32) {
    %c0_i32 = arith.constant 0 : i32
    %c0_i32_0 = arith.constant 0 : i32
    %c0_i32_1 = arith.constant 0 : i32
    return %c0_i32, %c0_i32_0 : i32, i32
  }
  func.func @transform_5(%arg0: i32) -> (i32, i32) {
    %c0_i32 = arith.constant 0 : i32
    %c0_i32_0 = arith.constant 0 : i32
    return %arg0, %c0_i32 : i32, i32
  }
}

module attributes {stable_mosaic.version = 14 : i64} {
  func.func @_final_body(%arg0: i32, %arg1: memref<2x2000x128xf32, #tpu.memory_space<vmem>>, %arg2: memref<2000x1xi32, #tpu.memory_space<vmem>>, %arg3: memref<128x128xf32, #tpu.memory_space<vmem>>, %arg4: memref<1x128xf32, #tpu.memory_space<vmem>>, %arg5: memref<1x128xf32, #tpu.memory_space<vmem>>, %arg6: memref<1x128xf32, #tpu.memory_space<vmem>>, %arg7: memref<16x128xf32, #tpu.memory_space<vmem>>, %arg8: memref<16x128xf32, #tpu.memory_space<vmem>>, %arg9: memref<16x128xf32, #tpu.memory_space<vmem>>) attributes {dimension_semantics = [#tpu.dimension_semantics<arbitrary>], iteration_bounds = array<i64: 5>, scalar_prefetch = 0 : i64, scratch_operands = 2 : i64, tpu.core_type = #tpu.core_type<tc>, window_params = [{transform_indices = @transform_0, window_bounds = array<i64: 2, 2000, 128>}, {transform_indices = @transform_1, window_bounds = array<i64: 2000, 1>}, {pipeline_mode = #tpu.pipeline_mode<synchronous>, transform_indices = @transform_2, window_bounds = array<i64: 128, 128>}, {pipeline_mode = #tpu.pipeline_mode<synchronous>, transform_indices = @transform_3, window_bounds = array<i64: 1, 128>}, {pipeline_mode = #tpu.pipeline_mode<synchronous>, transform_indices = @transform_4, window_bounds = array<i64: 1, 128>}, {pipeline_mode = #tpu.pipeline_mode<synchronous>, transform_indices = @transform_5, window_bounds = array<i64: 1, 128>}, {pipeline_mode = #tpu.pipeline_mode<synchronous>, transform_indices = @transform_6, window_bounds = array<i64: 16, 128>}]} {
    %eq3A = arith.constant 0 : i32
    %eq3A_0 = arith.cmpi eq, %arg0, %eq3A : i32
    %convert_element_type3A = arith.extui %eq3A_0 : i1 to i32
    %cond3A = arith.constant 0 : i32
    %cond3A_1 = arith.cmpi ne, %convert_element_type3A, %cond3A : i32
    scf.if %cond3A_1 {
      %broadcast_in_dim3A_87 = arith.constant 0.000000e+00 : f32
      %broadcast_in_dim3A_88 = vector.broadcast %broadcast_in_dim3A_87 : f32 to vector<16x128xf32>
      %swap3A_89 = arith.constant 0 : index
      %swap3A_90 = arith.constant 0 : index
      %swap3A_91 = vector.load %arg8[%swap3A_89, %swap3A_90] : memref<16x128xf32, #tpu.memory_space<vmem>>, vector<16x128xf32>
      tpu.vector_store %arg8[%swap3A_89, %swap3A_90], %broadcast_in_dim3A_88 {strides = array<i32>} : memref<16x128xf32, #tpu.memory_space<vmem>>, vector<16x128xf32>,
      %broadcast_in_dim3A_92 = arith.constant 0.000000e+00 : f32
      %broadcast_in_dim3A_93 = vector.broadcast %broadcast_in_dim3A_92 : f32 to vector<16x128xf32>
      %swap3A_94 = arith.constant 0 : index
      %swap3A_95 = arith.constant 0 : index
      %swap3A_96 = vector.load %arg9[%swap3A_94, %swap3A_95] : memref<16x128xf32, #tpu.memory_space<vmem>>, vector<16x128xf32>
      tpu.vector_store %arg9[%swap3A_94, %swap3A_95], %broadcast_in_dim3A_93 {strides = array<i32>} : memref<16x128xf32, #tpu.memory_space<vmem>>, vector<16x128xf32>,
    } else {
    }
    %get3A = arith.constant 0 : index
    %get3A_2 = arith.constant 0 : index
    %get3A_3 = arith.constant 0 : index
    %get3A_4 = vector.load %arg1[%get3A, %get3A_2, %get3A_3] : memref<2x2000x128xf32, #tpu.memory_space<vmem>>, vector<1x2000x128xf32>
    %get3A_5 = vector.shape_cast %get3A_4 : vector<1x2000x128xf32> to vector<2000x128xf32>
    %get3A_6 = arith.constant 1 : index
    %get3A_7 = arith.constant 0 : index
    %get3A_8 = arith.constant 0 : index
    %get3A_9 = vector.load %arg1[%get3A_6, %get3A_7, %get3A_8] : memref<2x2000x128xf32, #tpu.memory_space<vmem>>, vector<1x2000x128xf32>
    %get3A_10 = vector.shape_cast %get3A_9 : vector<1x2000x128xf32> to vector<2000x128xf32>
    %add3A = arith.addf %get3A_5, %get3A_10 : vector<2000x128xf32>
    %get3A_11 = arith.constant 0 : index
    %get3A_12 = arith.constant 0 : index
    %get3A_13 = vector.load %arg3[%get3A_11, %get3A_12] : memref<128x128xf32, #tpu.memory_space<vmem>>, vector<128x128xf32>
    %dot_general3A = arith.constant dense<0.000000e+00> : vector<2000x128xf32>
    %dot_general3A_14 = tpu.matmul %add3A, %get3A_13, %dot_general3A {dimension_numbers = #tpu.dot_dimension_numbers<[1], [1], [0], [0], [0, 0, 1, 0], [], []>, precision = #tpu.contract_precision<fp32>, transpose_lhs_hint = false} : vector<2000x128xf32>, vector<128x128xf32>, vector<2000x128xf32> -> vector<2000x128xf32>
    %get3A_15 = arith.constant 0 : index
    %get3A_16 = arith.constant 0 : index
    %get3A_17 = vector.load %arg4[%get3A_15, %get3A_16] : memref<1x128xf32, #tpu.memory_space<vmem>>, vector<1x128xf32>
    %add3A_18 = vector.broadcast %get3A_17 : vector<1x128xf32> to vector<2000x128xf32>
    %add3A_19 = arith.addf %dot_general3A_14, %add3A_18 : vector<2000x128xf32>
    %max3A = arith.constant 0.000000e+00 : f32
    %max3A_20 = vector.broadcast %max3A : f32 to vector<2000x128xf32>
    %max3A_21 = arith.maximumf %add3A_19, %max3A_20 : vector<2000x128xf32>
    %reduce_sum3A = arith.constant dense<0.000000e+00> : vector<2000xf32>
    %reduce_sum3A_22 = vector.multi_reduction <add>, %max3A_21, %reduce_sum3A [1] : vector<2000x128xf32> to vector<2000xf32>
    %broadcast_in_dim3A = vector.shape_cast %reduce_sum3A_22 : vector<2000xf32> to vector<2000x1xf32>
    %div3A = arith.constant 1.280000e+02 : f32
    %div3A_23 = vector.broadcast %div3A : f32 to vector<2000x1xf32>
    %div3A_24 = arith.divf %broadcast_in_dim3A, %div3A_23 : vector<2000x1xf32>
    %sub3A = vector.broadcast %div3A_24 : vector<2000x1xf32> to vector<2000x128xf32>
    %sub3A_25 = arith.subf %max3A_21, %sub3A : vector<2000x128xf32>
    %integer_pow3A = arith.mulf %sub3A_25, %sub3A_25 : vector<2000x128xf32>
    %reduce_sum3A_26 = arith.constant dense<0.000000e+00> : vector<2000xf32>
    %reduce_sum3A_27 = vector.multi_reduction <add>, %integer_pow3A, %reduce_sum3A_26 [1] : vector<2000x128xf32> to vector<2000xf32>
    %broadcast_in_dim3A_28 = vector.shape_cast %reduce_sum3A_27 : vector<2000xf32> to vector<2000x1xf32>
    %div3A_29 = arith.constant 1.280000e+02 : f32
    %div3A_30 = vector.broadcast %div3A_29 : f32 to vector<2000x1xf32>
    %div3A_31 = arith.divf %broadcast_in_dim3A_28, %div3A_30 : vector<2000x1xf32>
    %sub3A_32 = vector.broadcast %div3A_24 : vector<2000x1xf32> to vector<2000x128xf32>
    %sub3A_33 = arith.subf %max3A_21, %sub3A_32 : vector<2000x128xf32>
    %add3A_34 = arith.constant 9.99999974E-6 : f32
    %add3A_35 = vector.broadcast %add3A_34 : f32 to vector<2000x1xf32>
    %add3A_36 = arith.addf %div3A_31, %add3A_35 : vector<2000x1xf32>
    %sqrt3A = math.sqrt %add3A_36 : vector<2000x1xf32>
    %div3A_37 = vector.broadcast %sqrt3A : vector<2000x1xf32> to vector<2000x128xf32>
    %div3A_38 = arith.divf %sub3A_33, %div3A_37 : vector<2000x128xf32>
    %get3A_39 = arith.constant 0 : index
    %get3A_40 = arith.constant 0 : index
    %get3A_41 = vector.load %arg5[%get3A_39, %get3A_40] : memref<1x128xf32, #tpu.memory_space<vmem>>, vector<1x128xf32>
    %mul3A = vector.broadcast %get3A_41 : vector<1x128xf32> to vector<2000x128xf32>
    %mul3A_42 = arith.mulf %div3A_38, %mul3A : vector<2000x128xf32>
    %get3A_43 = arith.constant 0 : index
    %get3A_44 = arith.constant 0 : index
    %get3A_45 = vector.load %arg6[%get3A_43, %get3A_44] : memref<1x128xf32, #tpu.memory_space<vmem>>, vector<1x128xf32>
    %add3A_46 = vector.broadcast %get3A_45 : vector<1x128xf32> to vector<2000x128xf32>
    %add3A_47 = arith.addf %mul3A_42, %add3A_46 : vector<2000x128xf32>
    %get3A_48 = arith.constant 0 : index
    %get3A_49 = arith.constant 0 : index
    %get3A_50 = vector.load %arg2[%get3A_48, %get3A_49] : memref<2000x1xi32, #tpu.memory_space<vmem>>, vector<2000x1xi32>
    %iota3A = tpu.iota {dimensions = array<i32: 1>} : vector<2000x16xi32>
    %eq3A_51 = vector.broadcast %get3A_50 : vector<2000x1xi32> to vector<2000x16xi32>
    %eq3A_52 = arith.cmpi eq, %iota3A, %eq3A_51 : vector<2000x16xi32>
    %convert_element_type3A_53 = arith.extui %eq3A_52 : vector<2000x16xi1> to vector<2000x16xi32>
    %convert_element_type3A_54 = arith.sitofp %convert_element_type3A_53 : vector<2000x16xi32> to vector<2000x16xf32>
    %get3A_55 = arith.constant 0 : index
    %get3A_56 = arith.constant 0 : index
    %get3A_57 = vector.load %arg8[%get3A_55, %get3A_56] : memref<16x128xf32, #tpu.memory_space<vmem>>, vector<16x128xf32>
    %dot_general3A_58 = arith.constant dense<0.000000e+00> : vector<16x128xf32>
    %dot_general3A_59 = tpu.matmul %convert_element_type3A_54, %add3A_47, %dot_general3A_58 {dimension_numbers = #tpu.dot_dimension_numbers<[0], [0], [1], [1], [0, 1, 1, 1], [], []>, precision = #tpu.contract_precision<fp32>, transpose_lhs_hint = false} : vector<2000x16xf32>, vector<2000x128xf32>, vector<16x128xf32> -> vector<16x128xf32>
    %add3A_60 = arith.addf %get3A_57, %dot_general3A_59 : vector<16x128xf32>
    %swap3A = arith.constant 0 : index
    %swap3A_61 = arith.constant 0 : index
    %swap3A_62 = vector.load %arg8[%swap3A, %swap3A_61] : memref<16x128xf32, #tpu.memory_space<vmem>>, vector<16x128xf32>
    tpu.vector_store %arg8[%swap3A, %swap3A_61], %add3A_60 {strides = array<i32>} : memref<16x128xf32, #tpu.memory_space<vmem>>, vector<16x128xf32>,
    %get3A_63 = arith.constant 0 : index
    %get3A_64 = arith.constant 0 : index
    %get3A_65 = vector.load %arg9[%get3A_63, %get3A_64] : memref<16x128xf32, #tpu.memory_space<vmem>>, vector<16x128xf32>
    %broadcast_in_dim3A_66 = arith.constant 1.000000e+00 : f32
    %broadcast_in_dim3A_67 = vector.broadcast %broadcast_in_dim3A_66 : f32 to vector<2000x128xf32>
    %dot_general3A_68 = arith.constant dense<0.000000e+00> : vector<16x128xf32>
    %dot_general3A_69 = tpu.matmul %convert_element_type3A_54, %broadcast_in_dim3A_67, %dot_general3A_68 {dimension_numbers = #tpu.dot_dimension_numbers<[0], [0], [1], [1], [0, 1, 1, 1], [], []>, precision = #tpu.contract_precision<fp32>, transpose_lhs_hint = false} : vector<2000x16xf32>, vector<2000x128xf32>, vector<16x128xf32> -> vector<16x128xf32>
    %add3A_70 = arith.addf %get3A_65, %dot_general3A_69 : vector<16x128xf32>
    %swap3A_71 = arith.constant 0 : index
    %swap3A_72 = arith.constant 0 : index
    %swap3A_73 = vector.load %arg9[%swap3A_71, %swap3A_72] : memref<16x128xf32, #tpu.memory_space<vmem>>, vector<16x128xf32>
    tpu.vector_store %arg9[%swap3A_71, %swap3A_72], %add3A_70 {strides = array<i32>} : memref<16x128xf32, #tpu.memory_space<vmem>>, vector<16x128xf32>,
    %get3A_74 = arith.constant 0 : index
    %get3A_75 = arith.constant 0 : index
    %get3A_76 = vector.load %arg8[%get3A_74, %get3A_75] : memref<16x128xf32, #tpu.memory_space<vmem>>, vector<16x128xf32>
    %get3A_77 = arith.constant 0 : index
    %get3A_78 = arith.constant 0 : index
    %get3A_79 = vector.load %arg9[%get3A_77, %get3A_78] : memref<16x128xf32, #tpu.memory_space<vmem>>, vector<16x128xf32>
    %max3A_80 = arith.constant 1.000000e+00 : f32
    %max3A_81 = vector.broadcast %max3A_80 : f32 to vector<16x128xf32>
    %max3A_82 = arith.maximumf %get3A_79, %max3A_81 : vector<16x128xf32>
    %div3A_83 = arith.divf %get3A_76, %max3A_82 : vector<16x128xf32>
    %swap3A_84 = arith.constant 0 : index
    %swap3A_85 = arith.constant 0 : index
    %swap3A_86 = vector.load %arg7[%swap3A_84, %swap3A_85] : memref<16x128xf32, #tpu.memory_space<vmem>>, vector<16x128xf32>
    tpu.vector_store %arg7[%swap3A_84, %swap3A_85], %div3A_83 {strides = array<i32>} : memref<16x128xf32, #tpu.memory_space<vmem>>, vector<16x128xf32>,
    return
  }
  func.func @transform_0(%arg0: i32) -> (i32, i32, i32) {
    %c0_i32 = arith.constant 0 : i32
    %c0_i32_0 = arith.constant 0 : i32
    %c0_i32_1 = arith.constant 0 : i32
    return %c0_i32, %arg0, %c0_i32_0 : i32, i32, i32
  }
  func.func @transform_1(%arg0: i32) -> (i32, i32) {
    %c0_i32 = arith.constant 0 : i32
    %c0_i32_0 = arith.constant 0 : i32
    return %arg0, %c0_i32 : i32, i32
  }
  func.func @transform_2(%arg0: i32) -> (i32, i32) {
    %c0_i32 = arith.constant 0 : i32
    %c0_i32_0 = arith.constant 0 : i32
    %c0_i32_1 = arith.constant 0 : i32
    return %c0_i32, %c0_i32_0 : i32, i32
  }
  func.func @transform_3(%arg0: i32) -> (i32, i32) {
    %c0_i32 = arith.constant 0 : i32
    %c0_i32_0 = arith.constant 0 : i32
    %c0_i32_1 = arith.constant 0 : i32
    return %c0_i32, %c0_i32_0 : i32, i32
  }
  func.func @transform_4(%arg0: i32) -> (i32, i32) {
    %c0_i32 = arith.constant 0 : i32
    %c0_i32_0 = arith.constant 0 : i32
    %c0_i32_1 = arith.constant 0 : i32
    return %c0_i32, %c0_i32_0 : i32, i32
  }
  func.func @transform_5(%arg0: i32) -> (i32, i32) {
    %c0_i32 = arith.constant 0 : i32
    %c0_i32_0 = arith.constant 0 : i32
    %c0_i32_1 = arith.constant 0 : i32
    return %c0_i32, %c0_i32_0 : i32, i32
  }
  func.func @transform_6(%arg0: i32) -> (i32, i32) {
    %c0_i32 = arith.constant 0 : i32
    %c0_i32_0 = arith.constant 0 : i32
    %c0_i32_1 = arith.constant 0 : i32
    return %c0_i32, %c0_i32_0 : i32, i32
  }
}

</mosaic_0001>

<sc_bundles>
// kernel: kernel.12.cloned.1.call-start
scs
__scs_entry_jumppad:
0x0: {  	(pc) =	sbr.rel $0x88, $3  }
0x1: {  	(tag) =	ssettag $0x0;
	lr =	simm.s32 $0x1  }
0x2: {  	[smem:$0x3F90] =	sst lr;
	_ =	strace $0xD0000000  }
0x3: {  	_ = 	snop  }
0x4: {  	_ = 	snop  }
0x5: {  	_ = 	snop  }
0x6: {  	_ = 	snop  }
0x7: {  	_ = 	snop  }
__scs_overlays_trampoline_lowered:
0x8: {  	[smem:$0x3F9F] =	sst s0  }
0x9: {  	[smem:$0x3FA0] =	sst s1  }
0xa: {  	[smem:$0x3FA1] =	sst s2  }
0xb: {  	[smem:$0x3FA2] =	sst s3  }
0xc: {  	[smem:$0x3FA3] =	sst s4  }
0xd: {  	[smem:$0x3FA4] =	sst s5  }
0xe: {  	[smem:$0x3FA5] =	sst s6  }
0xf: {  	[smem:$0x3FA6] =	sst s7  }
0x10: {  	[smem:$0x3FA7] =	sst s8  }
0x11: {  	[smem:$0x3FA8] =	sst s9;
	s0 =	simm.s32 @!p0 $0x0  }
0x12: {  	s1 =	sld [smem:$0x3F8E];
	s0 =	simm.s32 @p0 $0x1  }
0x13: {  	[smem:$0x3FA9] =	sst s0;
	s0 =	simm.s32 @!p1 $0x0  }
0x14: {  	s2 =	sld [smem:$0x3F8D];
	s0 =	simm.s32 @p1 $0x1  }
0x15: {  	[smem:$0x3FAA] =	sst s0;
	s0 =	simm.s32 @!p2 $0x0  }
0x16: {  	s3 =	sld [smem:$0x3FDB];
	s0 =	simm.s32 @p2 $0x1  }
0x17: {  	s4 =	simm.s32 $0x1BF5;
	[smem:$0x3FAC] =	sst s0  }
0x18: {  	s0 =	sld [smem:$0x3F8F];
	_ =	swait.ge [sflag:s4], $0x0  }
0x19: {  	s7 =	sld [smem:$0x3F90]  }
0x1a: {  	s8 =	sadd.s32 $0xFFFFE003, lr  }
0x1b: {  	s9 =	sadd.s32 $0xFFFFFEF7, lr;
	s5 =	simm.s32 $0xFFFFFFFF;
	p2 =	slt.u32 s8, $0xFFFFF086  }
0x1c: {  	p1 =	slt.u32 s9, $0xF7A;
	s5 =	simm.s32 @!p2 $0x0  }
0x1d: {  	s5 =	simm.s32 @p1 $0x1;
	p0 =	seq.s32 s7, s2  }
0x1e: {  	s7 =	smul.u32 @!p0 $0xF7A, s2;
	p2 =	seq.s32 @!p0 s5, $0x0  }
0x1f: {  	s9 =	smul.u32 $0xF7A, s1;
	s8 =	simm.s32 @!p0 $0x1BF5;
	p2 =	por !p2, p0  }
0x20: {  	[sflag:s8] =	ssyncset.s32 @!p0 $0xFFFFF086;
	s6 =	sadd.s32 @!p0 s3, s7;
	s7 =	simm.s32 @!p0 $0x108  }
0x21: {  	s3 =	sadd.s32 s3, s9;
	s6 =	sadd.s32 @!p0 $0x88, s6;
	s7 =	simm.s32 @p2 $0x1082  }
0x22: {  	[simem:s7], [sflag:s8] =	dma.local @!p0 [hbm:s6], $0xF7A  }
0x23: {  	s9 =	sor.u32 $0xD0000000, s2;
	s6 =	simm.s32 $0x108;
	_ =	swait.ge @!p0 [sflag:s8], $0x0  }
0x24: {  	s3 =	sadd.s32 $0x88, s3;
	s6 =	simm.s32 @!p1 $0x1082;
	[sflag:s4] =	ssyncset.s32 $0xFFFFF086  }
0x25: {  	[simem:s6], [sflag:s4] =	dma.local [hbm:s3], $0xF7A  }
0x26: {  	[smem:$0x3F90] =	sst s1;
	(tag) =	ssettag s2;
	_ =	strace s9  }
0x27: {  	s1 =	sld [smem:$0x3FA0]  }
0x28: {  	s2 =	sld [smem:$0x3FA1]  }
0x29: {  	s4 =	sld [smem:$0x3FA3]  }
0x2a: {  	p0 =	seq.s32 s5, $0x0;
	s5 =	sld [smem:$0x3FA4]  }
0x2b: {  	s6 =	sld [smem:$0x3FA5]  }
0x2c: {  	s7 =	sld [smem:$0x3FA6]  }
0x2d: {  	s3 =	simm.s32 $0x108;
	s8 =	sld [smem:$0x3FA7]  }
0x2e: {  	s3 =	simm.s32 @!p0 $0x1082;
	s9 =	sld [smem:$0x3FA8]  }
0x2f: {  	lr =	sadd.s32 s0, s3;
	s0 =	sld [smem:$0x3F9F]  }
0x30: {  	s3 =	sld [smem:$0x3FA2]  }
0x31: {  	[smem:$0x3FAB] =	sst s10  }
0x32: {  	s10 =	sld [smem:$0x3FA9];
	_ =	sdelay $0x3  }
0x33: {  	p0 =	seq.s32 s10, $0x1;
	s10 =	sld [smem:$0x3FAB];
	_ =	sdelay $0x3  }
0x34: {  	[smem:$0x3FAB] =	sst s10  }
0x35: {  	s10 =	sld [smem:$0x3FAA];
	_ =	sdelay $0x3  }
0x36: {  	p1 =	seq.s32 s10, $0x1;
	s10 =	sld [smem:$0x3FAB];
	_ =	sdelay $0x3  }
0x37: {  	[smem:$0x3FAB] =	sst s10  }
0x38: {  	s10 =	sld [smem:$0x3FAC]  }
0x39: {  	_ = 	snop;
	(pc) =	sbr.ind lr, $3  }
0x3a: {  	_ = 	snop  }
0x3b: {  	_ = 	snop  }
0x3c: {  	p2 =	seq.s32 s10, $0x1;
	s10 =	sld [smem:$0x3FAB]  }
0x3d: {  	_ =	shalt  }
0x3e: {  	_ =	shalt  }
0x3f: {  	_ =	shalt  }
0x40: {  	_ =	shalt  }
0x41: {  	_ =	shalt  }
0x42: {  	_ =	shalt  }
0x43: {  	_ =	shalt  }
0x44: {  	_ =	shalt  }
0x45: {  	_ =	shalt  }
0x46: {  	_ =	shalt  }
0x47: {  	_ =	shalt  }
0x48: {  	_ =	shalt  }
0x49: {  	_ =	shalt  }
0x4a: {  	_ =	shalt  }
0x4b: {  	_ =	shalt  }
0x4c: {  	_ =	shalt  }
0x4d: {  	_ =	shalt  }
0x4e: {  	_ =	shalt  }
0x4f: {  	_ =	shalt  }
0x50: {  	_ =	shalt  }
0x51: {  	_ =	shalt  }
0x52: {  	_ =	shalt  }
0x53: {  	_ =	shalt  }
0x54: {  	_ =	shalt  }
0x55: {  	_ =	shalt  }
0x56: {  	_ =	shalt  }
0x57: {  	_ =	shalt  }
0x58: {  	_ =	shalt  }
0x59: {  	_ =	shalt  }
0x5a: {  	_ =	shalt  }
0x5b: {  	_ =	shalt  }
0x5c: {  	_ =	shalt  }
0x5d: {  	_ =	shalt  }
0x5e: {  	_ =	shalt  }
0x5f: {  	_ =	shalt  }
0x60: {  	_ =	shalt  }
0x61: {  	_ =	shalt  }
0x62: {  	_ =	shalt  }
0x63: {  	_ =	shalt  }
0x64: {  	_ =	shalt  }
0x65: {  	_ =	shalt  }
0x66: {  	_ =	shalt  }
0x67: {  	_ =	shalt  }
0x68: {  	_ =	shalt  }
0x69: {  	_ =	shalt  }
0x6a: {  	_ =	shalt  }
0x6b: {  	_ =	shalt  }
0x6c: {  	_ =	shalt  }
0x6d: {  	_ =	shalt  }
0x6e: {  	_ =	shalt  }
0x6f: {  	_ =	shalt  }
0x70: {  	_ =	shalt  }
0x71: {  	_ =	shalt  }
0x72: {  	_ =	shalt  }
0x73: {  	_ =	shalt  }
0x74: {  	_ =	shalt  }
0x75: {  	_ =	shalt  }
0x76: {  	_ =	shalt  }
0x77: {  	_ =	shalt  }
0x78: {  	_ =	shalt  }
0x79: {  	_ =	shalt  }
0x7a: {  	_ =	shalt  }
0x7b: {  	_ =	shalt  }
0x7c: {  	_ =	shalt  }
0x7d: {  	_ =	shalt  }
0x7e: {  	_ =	shalt  }
0x7f: {  	_ =	shalt  }
0x80: {  	_ =	shalt  }
0x81: {  	_ =	shalt  }
0x82: {  	_ =	shalt  }
0x83: {  	_ =	shalt  }
0x84: {  	_ =	shalt  }
0x85: {  	_ =	shalt  }
0x86: {  	_ =	shalt  }
0x87: {  	_ =	shalt  }
.Lfunc_end0:
.L_simem_size_0:
called_computation.1_lowered:
.L_overlay_start_0:
0x88: {  	s2 =	sld [smem:$0x3FD9]  }
0x89: {  	s3 =	sld [smem:$0x3FFE];
	_ =	sdelay $0x1  }
0x8a: {  	s1 =	srdreg.scid  }
0x8b: {  	s0 =	sand.u32 $0x1, s1  }
0x8c: {  	s16 =	sshll.u32 s0, $0xA;
	s2 =	sadd.s32 s3, s2  }
0x8d: {  	s2 =	sadd.s32 s2, s16  }
0x8e: {  	[smem:$0x3FB7] =	sst s2  }
0x8f: {  	_ = 	snop  }
0x90: {  	(tm) =	ssettm $0x1  }
0x91: {  	s17 =	sld [smem:$0x3FFB];
	_ =	sdelay $0x3  }
0x92: {  	_ =	strace s17  }
0x93: {  	s2 =	sld [smem:$0x3FFC];
	_ =	sdelay $0x3  }
0x94: {  	_ =	strace s2  }
0x95: {  	s2 =	sld [smem:$0x3FFD];
	_ =	sdelay $0x3  }
0x96: {  	_ =	strace s2  }
0x97: {  	_ =	strace $0x8FFFFFFF  }
0x98: {  	s18 =	sld [smem:$0x3FDB];
	_ =	sdelay $0x1  }
0x99: {  	s19 =	simm.s32 $_scs_section_size  }
0x9a: {  	s4 =	simm.s32 $_size__tile_overlayer_lowered;
	s5 =	simm.s32 $_tile_overlayer_lowered  }
0x9b: {  	s22 =	simm.s32 $0x1BFF;
	s21 =	sshll.u32 s5, $0x1;
	s2 =	sadd.s32 s19, s18  }
0x9c: {  	s6 =	simm.s32 $0x0;
	s20 =	sshll.u32 s4, $0x1;
	s4 =	sadd.s32 s21, s2  }
0x9d: {  	[timem:s6], [sflag:s22] =	dma.local [hbm:s4], s20  }
0x9e: {  	_ =	swait.ge [sflag:s22], s20  }
0x9f: {  	s3 =	ssub.s32 $0x0, s20;
	[sflag:s22] =	ssyncset.done $0x0  }
0xa0: {  	[sflag:s22] =	ssyncadd.s32 s3;
	_ =	sdelay $0x1  }
0xa1: {  	s23 =	simm.s32 $0x1B8B  }
0xa2: {  	_ =	swait.ge [sflag:s23], $0x1  }
0xa3: {  	[sflag:s23] =	ssyncset.done $0x0  }
0xa4: {  	s25 =	simm.s32 $0x1B8E;
	s24 =	sld [smem:$0x3FFE];
	[sflag:s23] =	ssyncadd.s32 $0xFFFFFFFF  }
0xa5: {  	s26 =	simm.s32 $execute0_lowered;
	[smem:$0x3FD2] =	sst s25  }
0xa6: {  	s4 =	sshll.u32 s26, $0x1;
	_ =	strace $0x80000049;
	[dreg:$0x1] =	wrdreg $0xFFFFFFFF  }
0xa7: {  	s28 =	simm.s32 $_size_execute0_lowered;
	s2 =	sadd.s32 s2, s4;
	[dreg:$0x0] =	wrdreg $0x0  }
0xa8: {  	s4 =	sshll.u32 s28, $0x1;
	[dreg:$0x2] =	wrdreg s2  }
0xa9: {  	[dreg:$0x3] =	wrdreg s4  }
0xaa: {  	[dreg:$0x4] =	wrdreg $0xC0  }
0xab: {  	_ =	task [dreg:s6], $0x5FFFF  }
0xac: {  	[dreg:$0x1] =	wrdreg $0xFFFFFFFF  }
0xad: {  	[dreg:$0x0] =	wrdreg $0x60  }
0xae: {  	[dreg:$0x2] =	wrdreg s24  }
0xaf: {  	[dreg:$0x3] =	wrdreg $0xB7800  }
0xb0: {  	[dreg:$0x4] =	wrdreg $0x9  }
0xb1: {  	_ =	task.clear_ibuf [dreg:s6], $0x5FFFF;
	_ =	strace $0x90000049  }
0xb2: {  	s29 =	simm.s32 $0x9;
	_ =	strace $0x8000004B  }
0xb3: {  	_ =	swait.ge [sflag:s29], $0x1  }
0xb4: {  	[sflag:s29] =	ssyncadd.s32 $0xFFFFFFFF  }
0xb5: {  	_ =	strace $0x9000004B  }
0xb6: {  	_ =	sfence  }
0xb7: {  	s30 =	sld [smem:$0x0];
	_ =	sdelay $0x2  }
0xb8: {  	s31 =	sshll.u32 s1, $0xD;
	s1 =	sshrl.u32 s1, $0x2  }
0xb9: {  	s3 =	sand.u32 $0x4000, s31;
	s1 =	sadd.s32 s1, s30  }
0xba: {  	s0 =	sor.u32 s3, s0;
	s1 =	sshll.u32 s1, $0x11  }
0xbb: {  	s0 =	sor.u32 s1, s0  }
0xbc: {  	s0 =	sadd.s32 $0x8F2B, s0  }
0xbd: {  	[sflag:s0] =	ssyncadd.remote.s32 $0x1  }
0xbe: {  	_ =	sfence.sel $0xFFFF  }
0xbf: {  	[dreg:$0x0] =	wrdreg $0xFFFFFFFF;
	(pc) =	sbr.abs _section_cstart, $3  }
0xc0: {  	[dreg:$0x1] =	wrdreg $0xFFFFFFFF  }
0xc1: {  	_ =	task.clear_ibuf [dreg:s6], $0x2FFFF;
	_ =	strace $0x9FFFFFFF  }
0xc2: {  	(tm) =	ssettm $0x7FFFFFFF  }
0xc3: {  	_ =	shalt  }
tec
execute0_lowered:
.L_overlay_start_1:
0x0: {  	(tag) =	ssettag $0x1  }
0x1: {  	s10 =	rddreg [dreg:$0x0]  }
0x2: {  	s0 =	srdreg.scid;
	s2 =	rddreg [dreg:$0x1];
	s15 =	simm.s32 $0x3  }
0x3: {  	s23 =	simm.s32 $0x50;
	s28 =	simm.s32 $0x2;
	s1 =	sand.u32 $0x1, s0  }
0x4: {  	s29 =	simm.s32 $0x6580;
	s0 =	stileid.u32;
	s24 =	smul.u32 $0x13C000, s1  }
0x5: {  	s30 =	simm.s32 $0x0;
	s20 =	sadd.s32 $0x138800, s2;
	s8 =	smul.u32 $0x13C00, s0  }
0x6: {  	s3 =	sshll.u32 s1, $0x4;
	s6 =	sshll.u32 s0, $0x7;
	s12 =	smul.u32 $0x4F000, s0  }
0x7: {  	s25 =	ssub.s32 $0x2, s1;
	s31 =	smul.u32 $0x2780, s0;
	p0 =	seq.s32 s1, $0x1  }
0x8: {  	s1 =	sadd.s32 $0x128400, s2;
	s4 =	sor.u32 s0, s3;
	s3 =	simm.s32 $0x0  }
0x9: {  	s6 =	sand.u32 $0x380, s6;
	s11 =	sshrl.u32 s25, $0x1;
	p2 =	seq.s32 @!p0 s0, $0xF  }
0xa: {  	s5 =	sshrl.u32 s4, $0x3;
	[smem:$0x7FF] =	sst s3;
	s7 =	sshll.u32 s4, $0xB  }
0xb: {  	s4 =	sadd.s32 $0x1CE00, s10;
	s14 =	ssub.s32 s25, s11;
	s26 =	sshrl.u32 s12, $0x2  }
0xc: {  	p1 =	por !p2, p0;
	p2 =	por p2, p0;
	s25 =	simm.s32 $0x8F80  }
0xd: {  	s5 =	smul.u32 $0x13C00, s5;
	_ =	strace $0x8000004A;
	s7 =	sadd.s32 s7, s10  }
0xe: {  	s12 =	smax.u32 s14, $0x1;
	s19 =	sshrl.u32 @!p1 s1, $0x3;
	s1 =	sshll.u32 @!p2 s0, $0x6  }
0xf: {  	s20 =	sshrl.u32 @!p1 s20, $0x3;
	s7 =	sadd.s32 $0x3000, s7;
	s21 =	sor.u32 @!p2 $0x1C03, s1  }
0x10: {  	s5 =	sor.u32 s6, s5;
	s6 =	sadd.s32 s8, s24;
	s8 =	sadd.s32 s26, s2  }
0x11: {  	s24 =	simm.s32 $0x6780;
	s26 =	simm.s32 $0x1;
	s5 =	sshrl.u32 s5, $0x3  }
0x12: {  	s6 =	sshrl.u32 s6, $0x3;
	s18 =	sshrl.u32 @p0 s8, $0x3;
	s22 =	sshrl.u32 @!p2 s8, $0x3  }
0x13: {  	s9 =	sadd.s32 s5, s10;
	s5 =	sadd.s32 $0x44000, s10;
	s13 =	sadd.s32 s6, s10  }
0x14: {  	s10 =	sadd.s32 $0x41E80, s10;
	s11 =	sadd.s32 $0x46800, s13;
	s13 =	sshll.u32 @p0 s0, $0x6  }
0x15: {  	s6 =	sadd.s32 $0x13000, s9;
	s9 =	sadd.s32 s4, s31;
	s17 =	sor.u32 @p0 $0x1C03, s13  }
.LBB2_1:
0x16: {  	s1 =	simm.s32 $0x80;
	s13 =	simm.s32 $0x400  }
0x17: {  	[tilespmem:s3], [sflag:$0x3] =	stream.strided.gather [hbm4b:s6+s1], $0x2780, s13, s1, $0x38;
	[tilespmem:$0x1F380] =	vst v63  }
0x18: {  	_ =	swait.ge [sflag:s15], $0x2780  }
0x19: {  	[sflag:s15] =	ssyncset.done $0x0  }
0x1a: {  	s14 =	simm.s32 $0x2780;
	[sflag:s15] =	ssyncadd.s32 $0xFFFFD880  }
0x1b: {  	[tilespmem:s14], [sflag:$0x3] =	stream.linear.gather [hbm4b:s7+s3], $0x3E80, $0x38;
	[tilespmem:$0x1F380] =	vst v63  }
0x1c: {  	_ =	swait.ge [sflag:s15], $0x3E80  }
0x1d: {  	[sflag:s15] =	ssyncset.done $0x0  }
0x1e: {  	s1 =	simm.s32 @p0 $0x3;
	[sflag:s15] =	ssyncadd.s32 $0xFFFFC180  }
0x1f: {  	[spmem:s18], [sflag:s17] =	dma.local @p0 [hbm:s5], $0x2780  }
0x20: {  	_ =	swait.ge @p0 [sflag:s1], $0x2780  }
0x21: {  	[sflag:s1] =	ssyncset.done @p0 $0x0  }
0x22: {  	s13 =	simm.s32 @!p1 $0x3;
	[sflag:s1] =	ssyncadd.s32 @p0 $0xFFFFD880;
	s1 =	simm.s32 @!p1 $0x1FC3  }
0x23: {  	[spmem:s19], [sflag:s1] =	dma.local @!p1 [hbm:s10], $0x2080  }
0x24: {  	_ =	swait.ge @!p1 [sflag:s13], $0x2080  }
0x25: {  	[sflag:s13] =	ssyncset.done @!p1 $0x0  }
0x26: {  	[sflag:s13] =	ssyncadd.s32 @!p1 $0xFFFFDF80  }
0x27: {  	[spmem:s20], [sflag:s1] =	dma.local @!p1 [hbm:s5], $0x700  }
0x28: {  	_ =	swait.ge @!p1 [sflag:s13], $0x700  }
0x29: {  	[sflag:s13] =	ssyncset.done @!p1 $0x0  }
0x2a: {  	s1 =	simm.s32 @!p2 $0x3;
	[sflag:s13] =	ssyncadd.s32 @!p1 $0xFFFFF900  }
0x2b: {  	[spmem:s22], [sflag:s21] =	dma.local @!p2 [hbm:s9], $0x2780  }
0x2c: {  	_ =	swait.ge @!p2 [sflag:s1], $0x2780  }
0x2d: {  	[sflag:s1] =	ssyncset.done @!p2 $0x0  }
0x2e: {  	[sflag:s1] =	ssyncadd.s32 @!p2 $0xFFFFD880  }
0x2f: {  	[bflag:$0x0] =	sbarrier.arrive $0xFFFF  }
0x30: {  	[tilespmem:s24], [sflag:$0x1] =	stream.indirect.gather [hbm4b:s4+s23], $0x80, s3, s23, $0xb8;
	[tilespmem:$0x1F380] =	vst v63  }
0x31: {  	s16 =	simm.s32 $0x50  }
0x32: {  	[tilespmem:s25], [sflag:$0x2] =	stream.indirect.gather [hbm4b:s4+s23], $0x80, s16, s23, $0xb8;
	[tilespmem:$0x1F380] =	vst v63  }
0x33: {  	_ =	swait.ge [sflag:s26], $0x2800  }
0x34: {  	[sflag:s26] =	ssyncset.done $0x0  }
0x35: {  	s13 =	simm.s32 $0x2780;
	[sflag:s26] =	ssyncadd.s32 $0xFFFFD800  }
0x36: {  	[spmem:s2] =	stream.indirect.scatter.add.f32 [tilespmem:s24], [sflag:$0x3], $0x80, s13, s23, $0xb8;
	[tilespmem:$0x1F380] =	vst v63  }
0x37: {  	_ =	swait.ge [sflag:s15], $0x2800  }
0x38: {  	[sflag:s15] =	ssyncset.done $0x0  }
0x39: {  	s14 =	simm.s32 $0xA0;
	[sflag:s15] =	ssyncadd.s32 $0xFFFFD800  }
0x3a: {  	[tilespmem:s24], [sflag:$0x1] =	stream.indirect.gather [hbm4b:s4+s23], $0x80, s14, s23, $0xb8;
	[tilespmem:$0x1F380] =	vst v63  }
0x3b: {  	_ =	swait.ge [sflag:s28], $0x2800  }
0x3c: {  	[sflag:s28] =	ssyncset.done $0x0  }
0x3d: {  	s16 =	simm.s32 $0x2800;
	[sflag:s28] =	ssyncadd.s32 $0xFFFFD800  }
0x3e: {  	[spmem:s2] =	stream.indirect.scatter.add.f32 [tilespmem:s25], [sflag:$0x3], $0x80, s16, s23, $0xb8;
	[tilespmem:$0x1F380] =	vst v63  }
0x3f: {  	s31 =	simm.s32 $0x140;
	_ =	swait.ge [sflag:s15], $0x2800  }
0x40: {  	s1 =	simm.s32 $0x400;
	s13 =	simm.s32 $0x800;
	[sflag:s15] =	ssyncset.done $0x0  }
.LBB2_2:
0x41: {  	p3 =	sne.s32 s13, $0xF400;
	s14 =	sadd.s32 $0xFFFFFFB0, s31;
	[sflag:s15] =	ssyncadd.s32 $0xFFFFD800  }
0x42: {  	[tilespmem:s25], [sflag:$0x2] =	stream.indirect.gather [hbm4b:s4+s23], $0x80, s14, s23, $0xb8;
	[tilespmem:$0x1F380] =	vst v63  }
0x43: {  	s14 =	smov.u32 s13;
	s13 =	sadd.s32 $0x400, s13;
	_ =	swait.ge [sflag:s26], $0x2800  }
0x44: {  	s16 =	sshra.s32 s1, $0x2;
	s1 =	smov.u32 s14;
	[sflag:s26] =	ssyncset.done $0x0  }
0x45: {  	s14 =	sadd.s32 $0x2780, s16;
	[sflag:s26] =	ssyncadd.s32 $0xFFFFD800  }
0x46: {  	[spmem:s2] =	stream.indirect.scatter.add.f32 [tilespmem:s24], [sflag:$0x3], $0x80, s14, s23, $0xb8;
	[tilespmem:$0x1F380] =	vst v63  }
0x47: {  	_ =	swait.ge [sflag:s15], $0x2800  }
0x48: {  	[sflag:s15] =	ssyncset.done $0x0  }
0x49: {  	[sflag:s15] =	ssyncadd.s32 $0xFFFFD800  }
0x4a: {  	[tilespmem:s24], [sflag:$0x1] =	stream.indirect.gather [hbm4b:s4+s23], $0x80, s31, s23, $0xb8;
	[tilespmem:$0x1F380] =	vst v63  }
0x4b: {  	_ =	swait.ge [sflag:s28], $0x2800  }
.Ltmp0:
0x4c: {  	[sflag:s28] =	ssyncset.done $0x0;
	(pc) =	sbr.rel @p3 .LBB2_2-.Ltmp0, $4  }
0x4d: {  	s14 =	sadd.s32 $0x2800, s16;
	[sflag:s28] =	ssyncadd.s32 $0xFFFFD800  }
0x4e: {  	[spmem:s2] =	stream.indirect.scatter.add.f32 [tilespmem:s25], [sflag:$0x3], $0x80, s14, s23, $0xb8;
	[tilespmem:$0x1F380] =	vst v63  }
0x4f: {  	_ =	swait.ge [sflag:s15], $0x2800  }
0x50: {  	s31 =	sadd.s32 $0xA0, s31;
	[sflag:s15] =	ssyncset.done $0x0  }
0x51: {  	s13 =	sadd.s32 $0xFFFFFFB0, s31;
	[sflag:s15] =	ssyncadd.s32 $0xFFFFD800  }
0x52: {  	[tilespmem:s25], [sflag:$0x2] =	stream.indirect.gather [hbm4b:s4+s23], $0x80, s13, s23, $0xb8;
	[tilespmem:$0x1F380] =	vst v63  }
0x53: {  	_ =	swait.ge [sflag:s26], $0x2800  }
0x54: {  	s1 =	sshra.s32 s1, $0x2;
	[sflag:s26] =	ssyncset.done $0x0  }
0x55: {  	s14 =	sadd.s32 $0x2780, s1;
	[sflag:s26] =	ssyncadd.s32 $0xFFFFD800  }
0x56: {  	[spmem:s2] =	stream.indirect.scatter.add.f32 [tilespmem:s24], [sflag:$0x3], $0x80, s14, s23, $0xb8;
	[tilespmem:$0x1F380] =	vst v63  }
0x57: {  	_ =	swait.ge [sflag:s15], $0x2800  }
0x58: {  	[sflag:s15] =	ssyncset.done $0x0  }
0x59: {  	[sflag:s15] =	ssyncadd.s32 $0xFFFFD800  }
0x5a: {  	[tilespmem:s24], [sflag:$0x1] =	stream.indirect.gather [hbm4b:s4+s23], $0x80, s31, s23, $0xb8;
	[tilespmem:$0x1F380] =	vst v63  }
0x5b: {  	_ =	swait.ge [sflag:s28], $0x2800  }
0x5c: {  	[sflag:s28] =	ssyncset.done $0x0  }
0x5d: {  	s1 =	sadd.s32 $0x2800, s1;
	[sflag:s28] =	ssyncadd.s32 $0xFFFFD800  }
0x5e: {  	[spmem:s2] =	stream.indirect.scatter.add.f32 [tilespmem:s25], [sflag:$0x3], $0x80, s1, s23, $0xb8;
	[tilespmem:$0x1F380] =	vst v63  }
0x5f: {  	_ =	swait.ge [sflag:s15], $0x2800  }
0x60: {  	[sflag:s15] =	ssyncset.done $0x0  }
0x61: {  	[sflag:s15] =	ssyncadd.s32 $0xFFFFD800  }
0x62: {  	_ =	swait.ge [sflag:s26], $0x2800  }
0x63: {  	[sflag:s26] =	ssyncset.done $0x0  }
0x64: {  	[sflag:s26] =	ssyncadd.s32 $0xFFFFD800  }
0x65: {  	[spmem:s2] =	stream.indirect.scatter.add.f32 [tilespmem:s24], [sflag:$0x3], $0x80, s29, s23, $0xb8;
	[tilespmem:$0x1F380] =	vst v63  }
0x66: {  	_ =	swait.ge [sflag:s15], $0x2800  }
0x67: {  	s16 =	sshll.u32 s0, $0x6;
	s30 =	sadd.s32 $0x1, s30;
	[sflag:s15] =	ssyncset.done $0x0  }
0x68: {  	p3 =	sne.s32 s30, s12;
	s31 =	sshrl.u32 s8, $0x3;
	[sflag:s15] =	ssyncadd.s32 $0xFFFFD800  }
.Ltmp1:
0x69: {  	s1 =	sor.u32 $0x1C03, s16;
	[bflag:$0x0] =	sbarrier.arrive $0xFFFF;
	(pc) =	sbr.rel @p3 .LBB2_1-.Ltmp1, $4  }
0x6a: {  	[hbm:s11], [sflag:s1] =	dma.local [spmem:s31], $0x2780  }
0x6b: {  	_ =	swait.ge [sflag:s15], $0x2780  }
0x6c: {  	[sflag:s15] =	ssyncset.done $0x0  }
0x6d: {  	[sflag:s15] =	ssyncadd.s32 $0xFFFFD880  }
0x6e: {  	_ =	sfence.sel $0x180000  }
0x6f: {  	[bflag:$0x0] =	sbarrier.arrive $0xFFFF  }
0x70: {  	_ =	strace $0x9000004A  }
0x71: {  	[bflag:$0x2] =	sbarrier.arrive $0xFFFF  }
0x72: {  	p0 =	sne.s32 s0, $0x0;
	s0 =	rddreg [dreg:$0x2]  }
0x73: {  	s0 =	sadd.s32 @!p0 $0x100000, s0  }
0x74: {  	[sflag:s0] =	ssyncadd.tile.s32 @!p0 $0x1;
	_ =	shalt  }
.Lfunc_end2:
_tile_overlayer_lowered:
.L_overlay_start_2:
0x75: {  	(tag) =	ssettag $0x2  }
0x76: {  	s0 =	rddreg [dreg:$0x0];
	s2 =	stileid.u32  }
0x77: {  	s1 =	rddreg [dreg:$0x1];
	p0 =	sne.s32 s2, $0x0  }
0x78: {  	s3 =	rddreg [dreg:$0x2];
	[bflag:$0x3] =	sbarrier.arrive $0xFFFF;
	s2 =	simm.s32 @!p0 $0x1C03  }
0x79: {  	[timem:s3], [sflag:s2] =	dma.local @!p0 [hbm:s0], s1  }
0x7a: {  	s0 =	simm.s32 @!p0 $0x3  }
0x7b: {  	_ =	swait.ge @!p0 [sflag:s0], s1  }
0x7c: {  	s1 =	ssub.s32 @!p0 $0x0, s1;
	[sflag:s0] =	ssyncset.done @!p0 $0x0  }
0x7d: {  	[sflag:s0] =	ssyncadd.s32 @!p0 s1  }
0x7e: {  	[bflag:$0x3] =	sbarrier.arrive $0xFFFF  }
0x7f: {  	_ =	shalt  }

// kernel: kernel.15.cloned.1.call-start
scs
__scs_entry_jumppad:
0x0: {  	(pc) =	sbr.rel $0x88, $3  }
0x1: {  	(tag) =	ssettag $0x0;
	lr =	simm.s32 $0x1  }
0x2: {  	[smem:$0x3F90] =	sst lr;
	_ =	strace $0xD0000000  }
0x3: {  	_ = 	snop  }
0x4: {  	_ = 	snop  }
0x5: {  	_ = 	snop  }
0x6: {  	_ = 	snop  }
0x7: {  	_ = 	snop  }
__scs_overlays_trampoline_lowered:
0x8: {  	[smem:$0x3F9F] =	sst s0  }
0x9: {  	[smem:$0x3FA0] =	sst s1  }
0xa: {  	[smem:$0x3FA1] =	sst s2  }
0xb: {  	[smem:$0x3FA2] =	sst s3  }
0xc: {  	[smem:$0x3FA3] =	sst s4  }
0xd: {  	[smem:$0x3FA4] =	sst s5  }
0xe: {  	[smem:$0x3FA5] =	sst s6  }
0xf: {  	[smem:$0x3FA6] =	sst s7  }
0x10: {  	[smem:$0x3FA7] =	sst s8  }
0x11: {  	[smem:$0x3FA8] =	sst s9;
	s0 =	simm.s32 @!p0 $0x0  }
0x12: {  	s1 =	sld [smem:$0x3F8E];
	s0 =	simm.s32 @p0 $0x1  }
0x13: {  	[smem:$0x3FA9] =	sst s0;
	s0 =	simm.s32 @!p1 $0x0  }
0x14: {  	s2 =	sld [smem:$0x3F8D];
	s0 =	simm.s32 @p1 $0x1  }
0x15: {  	[smem:$0x3FAA] =	sst s0;
	s0 =	simm.s32 @!p2 $0x0  }
0x16: {  	s3 =	sld [smem:$0x3FDB];
	s0 =	simm.s32 @p2 $0x1  }
0x17: {  	s4 =	simm.s32 $0x1BF5;
	[smem:$0x3FAC] =	sst s0  }
0x18: {  	s0 =	sld [smem:$0x3F8F];
	_ =	swait.ge [sflag:s4], $0x0  }
0x19: {  	s7 =	sld [smem:$0x3F90]  }
0x1a: {  	s8 =	sadd.s32 $0xFFFFE003, lr  }
0x1b: {  	s9 =	sadd.s32 $0xFFFFFEF7, lr;
	s5 =	simm.s32 $0xFFFFFFFF;
	p2 =	slt.u32 s8, $0xFFFFF086  }
0x1c: {  	p1 =	slt.u32 s9, $0xF7A;
	s5 =	simm.s32 @!p2 $0x0  }
0x1d: {  	s5 =	simm.s32 @p1 $0x1;
	p0 =	seq.s32 s7, s2  }
0x1e: {  	s7 =	smul.u32 @!p0 $0xF7A, s2;
	p2 =	seq.s32 @!p0 s5, $0x0  }
0x1f: {  	s9 =	smul.u32 $0xF7A, s1;
	s8 =	simm.s32 @!p0 $0x1BF5;
	p2 =	por !p2, p0  }
0x20: {  	[sflag:s8] =	ssyncset.s32 @!p0 $0xFFFFF086;
	s6 =	sadd.s32 @!p0 s3, s7;
	s7 =	simm.s32 @!p0 $0x108  }
0x21: {  	s3 =	sadd.s32 s3, s9;
	s6 =	sadd.s32 @!p0 $0x88, s6;
	s7 =	simm.s32 @p2 $0x1082  }
0x22: {  	[simem:s7], [sflag:s8] =	dma.local @!p0 [hbm:s6], $0xF7A  }
0x23: {  	s9 =	sor.u32 $0xD0000000, s2;
	s6 =	simm.s32 $0x108;
	_ =	swait.ge @!p0 [sflag:s8], $0x0  }
0x24: {  	s3 =	sadd.s32 $0x88, s3;
	s6 =	simm.s32 @!p1 $0x1082;
	[sflag:s4] =	ssyncset.s32 $0xFFFFF086  }
0x25: {  	[simem:s6], [sflag:s4] =	dma.local [hbm:s3], $0xF7A  }
0x26: {  	[smem:$0x3F90] =	sst s1;
	(tag) =	ssettag s2;
	_ =	strace s9  }
0x27: {  	s1 =	sld [smem:$0x3FA0]  }
0x28: {  	s2 =	sld [smem:$0x3FA1]  }
0x29: {  	s4 =	sld [smem:$0x3FA3]  }
0x2a: {  	p0 =	seq.s32 s5, $0x0;
	s5 =	sld [smem:$0x3FA4]  }
0x2b: {  	s6 =	sld [smem:$0x3FA5]  }
0x2c: {  	s7 =	sld [smem:$0x3FA6]  }
0x2d: {  	s3 =	simm.s32 $0x108;
	s8 =	sld [smem:$0x3FA7]  }
0x2e: {  	s3 =	simm.s32 @!p0 $0x1082;
	s9 =	sld [smem:$0x3FA8]  }
0x2f: {  	lr =	sadd.s32 s0, s3;
	s0 =	sld [smem:$0x3F9F]  }
0x30: {  	s3 =	sld [smem:$0x3FA2]  }
0x31: {  	[smem:$0x3FAB] =	sst s10  }
0x32: {  	s10 =	sld [smem:$0x3FA9];
	_ =	sdelay $0x3  }
0x33: {  	p0 =	seq.s32 s10, $0x1;
	s10 =	sld [smem:$0x3FAB];
	_ =	sdelay $0x3  }
0x34: {  	[smem:$0x3FAB] =	sst s10  }
0x35: {  	s10 =	sld [smem:$0x3FAA];
	_ =	sdelay $0x3  }
0x36: {  	p1 =	seq.s32 s10, $0x1;
	s10 =	sld [smem:$0x3FAB];
	_ =	sdelay $0x3  }
0x37: {  	[smem:$0x3FAB] =	sst s10  }
0x38: {  	s10 =	sld [smem:$0x3FAC]  }
0x39: {  	_ = 	snop;
	(pc) =	sbr.ind lr, $3  }
0x3a: {  	_ = 	snop  }
0x3b: {  	_ = 	snop  }
0x3c: {  	p2 =	seq.s32 s10, $0x1;
	s10 =	sld [smem:$0x3FAB]  }
0x3d: {  	_ =	shalt  }
0x3e: {  	_ =	shalt  }
0x3f: {  	_ =	shalt  }
0x40: {  	_ =	shalt  }
0x41: {  	_ =	shalt  }
0x42: {  	_ =	shalt  }
0x43: {  	_ =	shalt  }
0x44: {  	_ =	shalt  }
0x45: {  	_ =	shalt  }
0x46: {  	_ =	shalt  }
0x47: {  	_ =	shalt  }
0x48: {  	_ =	shalt  }
0x49: {  	_ =	shalt  }
0x4a: {  	_ =	shalt  }
0x4b: {  	_ =	shalt  }
0x4c: {  	_ =	shalt  }
0x4d: {  	_ =	shalt  }
0x4e: {  	_ =	shalt  }
0x4f: {  	_ =	shalt  }
0x50: {  	_ =	shalt  }
0x51: {  	_ =	shalt  }
0x52: {  	_ =	shalt  }
0x53: {  	_ =	shalt  }
0x54: {  	_ =	shalt  }
0x55: {  	_ =	shalt  }
0x56: {  	_ =	shalt  }
0x57: {  	_ =	shalt  }
0x58: {  	_ =	shalt  }
0x59: {  	_ =	shalt  }
0x5a: {  	_ =	shalt  }
0x5b: {  	_ =	shalt  }
0x5c: {  	_ =	shalt  }
0x5d: {  	_ =	shalt  }
0x5e: {  	_ =	shalt  }
0x5f: {  	_ =	shalt  }
0x60: {  	_ =	shalt  }
0x61: {  	_ =	shalt  }
0x62: {  	_ =	shalt  }
0x63: {  	_ =	shalt  }
0x64: {  	_ =	shalt  }
0x65: {  	_ =	shalt  }
0x66: {  	_ =	shalt  }
0x67: {  	_ =	shalt  }
0x68: {  	_ =	shalt  }
0x69: {  	_ =	shalt  }
0x6a: {  	_ =	shalt  }
0x6b: {  	_ =	shalt  }
0x6c: {  	_ =	shalt  }
0x6d: {  	_ =	shalt  }
0x6e: {  	_ =	shalt  }
0x6f: {  	_ =	shalt  }
0x70: {  	_ =	shalt  }
0x71: {  	_ =	shalt  }
0x72: {  	_ =	shalt  }
0x73: {  	_ =	shalt  }
0x74: {  	_ =	shalt  }
0x75: {  	_ =	shalt  }
0x76: {  	_ =	shalt  }
0x77: {  	_ =	shalt  }
0x78: {  	_ =	shalt  }
0x79: {  	_ =	shalt  }
0x7a: {  	_ =	shalt  }
0x7b: {  	_ =	shalt  }
0x7c: {  	_ =	shalt  }
0x7d: {  	_ =	shalt  }
0x7e: {  	_ =	shalt  }
0x7f: {  	_ =	shalt  }
0x80: {  	_ =	shalt  }
0x81: {  	_ =	shalt  }
0x82: {  	_ =	shalt  }
0x83: {  	_ =	shalt  }
0x84: {  	_ =	shalt  }
0x85: {  	_ =	shalt  }
0x86: {  	_ =	shalt  }
0x87: {  	_ =	shalt  }
.Lfunc_end0:
.L_simem_size_0:
called_computation.2_lowered:
.L_overlay_start_0:
0x88: {  	s2 =	sld [smem:$0x3FD9]  }
0x89: {  	s3 =	sld [smem:$0x3FFE];
	_ =	sdelay $0x1  }
0x8a: {  	s1 =	srdreg.scid  }
0x8b: {  	s0 =	sand.u32 $0x1, s1  }
0x8c: {  	s16 =	sshll.u32 s0, $0xA;
	s2 =	sadd.s32 s3, s2  }
0x8d: {  	s2 =	sadd.s32 s2, s16  }
0x8e: {  	[smem:$0x3FB7] =	sst s2  }
0x8f: {  	_ = 	snop  }
0x90: {  	(tm) =	ssettm $0x1  }
0x91: {  	s17 =	sld [smem:$0x3FFB];
	_ =	sdelay $0x3  }
0x92: {  	_ =	strace s17  }
0x93: {  	s2 =	sld [smem:$0x3FFC];
	_ =	sdelay $0x3  }
0x94: {  	_ =	strace s2  }
0x95: {  	s2 =	sld [smem:$0x3FFD];
	_ =	sdelay $0x3  }
0x96: {  	_ =	strace s2  }
0x97: {  	_ =	strace $0x8FFFFFFF  }
0x98: {  	s18 =	sld [smem:$0x3FDB];
	_ =	sdelay $0x1  }
0x99: {  	s19 =	simm.s32 $_scs_section_size  }
0x9a: {  	s4 =	simm.s32 $_size__tile_overlayer_lowered;
	s5 =	simm.s32 $_tile_overlayer_lowered  }
0x9b: {  	s22 =	simm.s32 $0x1BFF;
	s21 =	sshll.u32 s5, $0x1;
	s2 =	sadd.s32 s19, s18  }
0x9c: {  	s6 =	simm.s32 $0x0;
	s20 =	sshll.u32 s4, $0x1;
	s4 =	sadd.s32 s21, s2  }
0x9d: {  	[timem:s6], [sflag:s22] =	dma.local [hbm:s4], s20  }
0x9e: {  	_ =	swait.ge [sflag:s22], s20  }
0x9f: {  	s3 =	ssub.s32 $0x0, s20;
	[sflag:s22] =	ssyncset.done $0x0  }
0xa0: {  	[sflag:s22] =	ssyncadd.s32 s3;
	_ =	sdelay $0x1  }
0xa1: {  	s23 =	simm.s32 $0x1B8B  }
0xa2: {  	_ =	swait.ge [sflag:s23], $0x1  }
0xa3: {  	[sflag:s23] =	ssyncset.done $0x0  }
0xa4: {  	s25 =	simm.s32 $0x1B8E;
	s24 =	sld [smem:$0x3FFE];
	[sflag:s23] =	ssyncadd.s32 $0xFFFFFFFF  }
0xa5: {  	s26 =	simm.s32 $execute0_lowered;
	[smem:$0x3FD2] =	sst s25  }
0xa6: {  	s4 =	sshll.u32 s26, $0x1;
	_ =	strace $0x8000004C;
	[dreg:$0x1] =	wrdreg $0xFFFFFFFF  }
0xa7: {  	s28 =	simm.s32 $_size_execute0_lowered;
	s2 =	sadd.s32 s2, s4;
	[dreg:$0x0] =	wrdreg $0x0  }
0xa8: {  	s4 =	sshll.u32 s28, $0x1;
	[dreg:$0x2] =	wrdreg s2  }
0xa9: {  	[dreg:$0x3] =	wrdreg s4  }
0xaa: {  	[dreg:$0x4] =	wrdreg $0xC0  }
0xab: {  	_ =	task [dreg:s6], $0x5FFFF  }
0xac: {  	[dreg:$0x1] =	wrdreg $0xFFFFFFFF  }
0xad: {  	[dreg:$0x0] =	wrdreg $0x60  }
0xae: {  	[dreg:$0x2] =	wrdreg s24  }
0xaf: {  	[dreg:$0x3] =	wrdreg $0xB7800  }
0xb0: {  	[dreg:$0x4] =	wrdreg $0x9  }
0xb1: {  	_ =	task.clear_ibuf [dreg:s6], $0x5FFFF;
	_ =	strace $0x9000004C  }
0xb2: {  	s29 =	simm.s32 $0x9;
	_ =	strace $0x8000004E  }
0xb3: {  	_ =	swait.ge [sflag:s29], $0x1  }
0xb4: {  	[sflag:s29] =	ssyncadd.s32 $0xFFFFFFFF  }
0xb5: {  	_ =	strace $0x9000004E  }
0xb6: {  	_ =	sfence  }
0xb7: {  	s30 =	sld [smem:$0x0];
	_ =	sdelay $0x2  }
0xb8: {  	s31 =	sshll.u32 s1, $0xD;
	s1 =	sshrl.u32 s1, $0x2  }
0xb9: {  	s3 =	sand.u32 $0x4000, s31;
	s1 =	sadd.s32 s1, s30  }
0xba: {  	s0 =	sor.u32 s3, s0;
	s1 =	sshll.u32 s1, $0x11  }
0xbb: {  	s0 =	sor.u32 s1, s0  }
0xbc: {  	s0 =	sadd.s32 $0x8F2B, s0  }
0xbd: {  	[sflag:s0] =	ssyncadd.remote.s32 $0x1  }
0xbe: {  	_ =	sfence.sel $0xFFFF  }
0xbf: {  	[dreg:$0x0] =	wrdreg $0xFFFFFFFF;
	(pc) =	sbr.abs _section_cstart, $3  }
0xc0: {  	[dreg:$0x1] =	wrdreg $0xFFFFFFFF  }
0xc1: {  	_ =	task.clear_ibuf [dreg:s6], $0x2FFFF;
	_ =	strace $0x9FFFFFFF  }
0xc2: {  	(tm) =	ssettm $0x7FFFFFFF  }
0xc3: {  	_ =	shalt  }
tec
execute0_lowered:
.L_overlay_start_1:
0x0: {  	(tag) =	ssettag $0x1  }
0x1: {  	s10 =	rddreg [dreg:$0x0]  }
0x2: {  	s0 =	srdreg.scid;
	s2 =	rddreg [dreg:$0x1];
	s15 =	simm.s32 $0x3  }
0x3: {  	s23 =	simm.s32 $0x50;
	s28 =	simm.s32 $0x2;
	s1 =	sand.u32 $0x1, s0  }
0x4: {  	s29 =	simm.s32 $0x6580;
	s0 =	stileid.u32;
	s24 =	smul.u32 $0x13C000, s1  }
0x5: {  	s30 =	simm.s32 $0x0;
	s20 =	sadd.s32 $0x138800, s2;
	s8 =	smul.u32 $0x13C00, s0  }
0x6: {  	s3 =	sshll.u32 s1, $0x4;
	s6 =	sshll.u32 s0, $0x7;
	s12 =	smul.u32 $0x4F000, s0  }
0x7: {  	s25 =	ssub.s32 $0x2, s1;
	s31 =	smul.u32 $0x2780, s0;
	p0 =	seq.s32 s1, $0x1  }
0x8: {  	s1 =	sadd.s32 $0x128400, s2;
	s4 =	sor.u32 s0, s3;
	s3 =	simm.s32 $0x0  }
0x9: {  	s6 =	sand.u32 $0x380, s6;
	s11 =	sshrl.u32 s25, $0x1;
	p2 =	seq.s32 @!p0 s0, $0xF  }
0xa: {  	s5 =	sshrl.u32 s4, $0x3;
	[smem:$0x7FF] =	sst s3;
	s7 =	sshll.u32 s4, $0xB  }
0xb: {  	s4 =	sadd.s32 $0x1CE00, s10;
	s14 =	ssub.s32 s25, s11;
	s26 =	sshrl.u32 s12, $0x2  }
0xc: {  	p1 =	por !p2, p0;
	p2 =	por p2, p0;
	s25 =	simm.s32 $0x8F80  }
0xd: {  	s5 =	smul.u32 $0x13C00, s5;
	_ =	strace $0x8000004D;
	s7 =	sadd.s32 s7, s10  }
0xe: {  	s12 =	smax.u32 s14, $0x1;
	s19 =	sshrl.u32 @!p1 s1, $0x3;
	s1 =	sshll.u32 @!p2 s0, $0x6  }
0xf: {  	s20 =	sshrl.u32 @!p1 s20, $0x3;
	s7 =	sadd.s32 $0x3000, s7;
	s21 =	sor.u32 @!p2 $0x1C03, s1  }
0x10: {  	s5 =	sor.u32 s6, s5;
	s6 =	sadd.s32 s8, s24;
	s8 =	sadd.s32 s26, s2  }
0x11: {  	s24 =	simm.s32 $0x6780;
	s26 =	simm.s32 $0x1;
	s5 =	sshrl.u32 s5, $0x3  }
0x12: {  	s6 =	sshrl.u32 s6, $0x3;
	s18 =	sshrl.u32 @p0 s8, $0x3;
	s22 =	sshrl.u32 @!p2 s8, $0x3  }
0x13: {  	s9 =	sadd.s32 s5, s10;
	s5 =	sadd.s32 $0x44000, s10;
	s13 =	sadd.s32 s6, s10  }
0x14: {  	s10 =	sadd.s32 $0x41E80, s10;
	s11 =	sadd.s32 $0x46800, s13;
	s13 =	sshll.u32 @p0 s0, $0x6  }
0x15: {  	s6 =	sadd.s32 $0x13000, s9;
	s9 =	sadd.s32 s4, s31;
	s17 =	sor.u32 @p0 $0x1C03, s13  }
.LBB2_1:
0x16: {  	s1 =	simm.s32 $0x80;
	s13 =	simm.s32 $0x400  }
0x17: {  	[tilespmem:s3], [sflag:$0x3] =	stream.strided.gather [hbm4b:s6+s1], $0x2780, s13, s1, $0x38;
	[tilespmem:$0x1F380] =	vst v63  }
0x18: {  	_ =	swait.ge [sflag:s15], $0x2780  }
0x19: {  	[sflag:s15] =	ssyncset.done $0x0  }
0x1a: {  	s14 =	simm.s32 $0x2780;
	[sflag:s15] =	ssyncadd.s32 $0xFFFFD880  }
0x1b: {  	[tilespmem:s14], [sflag:$0x3] =	stream.linear.gather [hbm4b:s7+s3], $0x3E80, $0x38;
	[tilespmem:$0x1F380] =	vst v63  }
0x1c: {  	_ =	swait.ge [sflag:s15], $0x3E80  }
0x1d: {  	[sflag:s15] =	ssyncset.done $0x0  }
0x1e: {  	s1 =	simm.s32 @p0 $0x3;
	[sflag:s15] =	ssyncadd.s32 $0xFFFFC180  }
0x1f: {  	[spmem:s18], [sflag:s17] =	dma.local @p0 [hbm:s5], $0x2780  }
0x20: {  	_ =	swait.ge @p0 [sflag:s1], $0x2780  }
0x21: {  	[sflag:s1] =	ssyncset.done @p0 $0x0  }
0x22: {  	s13 =	simm.s32 @!p1 $0x3;
	[sflag:s1] =	ssyncadd.s32 @p0 $0xFFFFD880;
	s1 =	simm.s32 @!p1 $0x1FC3  }
0x23: {  	[spmem:s19], [sflag:s1] =	dma.local @!p1 [hbm:s10], $0x2080  }
0x24: {  	_ =	swait.ge @!p1 [sflag:s13], $0x2080  }
0x25: {  	[sflag:s13] =	ssyncset.done @!p1 $0x0  }
0x26: {  	[sflag:s13] =	ssyncadd.s32 @!p1 $0xFFFFDF80  }
0x27: {  	[spmem:s20], [sflag:s1] =	dma.local @!p1 [hbm:s5], $0x700  }
0x28: {  	_ =	swait.ge @!p1 [sflag:s13], $0x700  }
0x29: {  	[sflag:s13] =	ssyncset.done @!p1 $0x0  }
0x2a: {  	s1 =	simm.s32 @!p2 $0x3;
	[sflag:s13] =	ssyncadd.s32 @!p1 $0xFFFFF900  }
0x2b: {  	[spmem:s22], [sflag:s21] =	dma.local @!p2 [hbm:s9], $0x2780  }
0x2c: {  	_ =	swait.ge @!p2 [sflag:s1], $0x2780  }
0x2d: {  	[sflag:s1] =	ssyncset.done @!p2 $0x0  }
0x2e: {  	[sflag:s1] =	ssyncadd.s32 @!p2 $0xFFFFD880  }
0x2f: {  	[bflag:$0x0] =	sbarrier.arrive $0xFFFF  }
0x30: {  	[tilespmem:s24], [sflag:$0x1] =	stream.indirect.gather [hbm4b:s4+s23], $0x80, s3, s23, $0xb8;
	[tilespmem:$0x1F380] =	vst v63  }
0x31: {  	s16 =	simm.s32 $0x50  }
0x32: {  	[tilespmem:s25], [sflag:$0x2] =	stream.indirect.gather [hbm4b:s4+s23], $0x80, s16, s23, $0xb8;
	[tilespmem:$0x1F380] =	vst v63  }
0x33: {  	_ =	swait.ge [sflag:s26], $0x2800  }
0x34: {  	[sflag:s26] =	ssyncset.done $0x0  }
0x35: {  	s13 =	simm.s32 $0x2780;
	[sflag:s26] =	ssyncadd.s32 $0xFFFFD800  }
0x36: {  	[spmem:s2] =	stream.indirect.scatter.add.f32 [tilespmem:s24], [sflag:$0x3], $0x80, s13, s23, $0xb8;
	[tilespmem:$0x1F380] =	vst v63  }
0x37: {  	_ =	swait.ge [sflag:s15], $0x2800  }
0x38: {  	[sflag:s15] =	ssyncset.done $0x0  }
0x39: {  	s14 =	simm.s32 $0xA0;
	[sflag:s15] =	ssyncadd.s32 $0xFFFFD800  }
0x3a: {  	[tilespmem:s24], [sflag:$0x1] =	stream.indirect.gather [hbm4b:s4+s23], $0x80, s14, s23, $0xb8;
	[tilespmem:$0x1F380] =	vst v63  }
0x3b: {  	_ =	swait.ge [sflag:s28], $0x2800  }
0x3c: {  	[sflag:s28] =	ssyncset.done $0x0  }
0x3d: {  	s16 =	simm.s32 $0x2800;
	[sflag:s28] =	ssyncadd.s32 $0xFFFFD800  }
0x3e: {  	[spmem:s2] =	stream.indirect.scatter.add.f32 [tilespmem:s25], [sflag:$0x3], $0x80, s16, s23, $0xb8;
	[tilespmem:$0x1F380] =	vst v63  }
0x3f: {  	s31 =	simm.s32 $0x140;
	_ =	swait.ge [sflag:s15], $0x2800  }
0x40: {  	s1 =	simm.s32 $0x400;
	s13 =	simm.s32 $0x800;
	[sflag:s15] =	ssyncset.done $0x0  }
.LBB2_2:
0x41: {  	p3 =	sne.s32 s13, $0xF400;
	s14 =	sadd.s32 $0xFFFFFFB0, s31;
	[sflag:s15] =	ssyncadd.s32 $0xFFFFD800  }
0x42: {  	[tilespmem:s25], [sflag:$0x2] =	stream.indirect.gather [hbm4b:s4+s23], $0x80, s14, s23, $0xb8;
	[tilespmem:$0x1F380] =	vst v63  }
0x43: {  	s14 =	smov.u32 s13;
	s13 =	sadd.s32 $0x400, s13;
	_ =	swait.ge [sflag:s26], $0x2800  }
0x44: {  	s16 =	sshra.s32 s1, $0x2;
	s1 =	smov.u32 s14;
	[sflag:s26] =	ssyncset.done $0x0  }
0x45: {  	s14 =	sadd.s32 $0x2780, s16;
	[sflag:s26] =	ssyncadd.s32 $0xFFFFD800  }
0x46: {  	[spmem:s2] =	stream.indirect.scatter.add.f32 [tilespmem:s24], [sflag:$0x3], $0x80, s14, s23, $0xb8;
	[tilespmem:$0x1F380] =	vst v63  }
0x47: {  	_ =	swait.ge [sflag:s15], $0x2800  }
0x48: {  	[sflag:s15] =	ssyncset.done $0x0  }
0x49: {  	[sflag:s15] =	ssyncadd.s32 $0xFFFFD800  }
0x4a: {  	[tilespmem:s24], [sflag:$0x1] =	stream.indirect.gather [hbm4b:s4+s23], $0x80, s31, s23, $0xb8;
	[tilespmem:$0x1F380] =	vst v63  }
0x4b: {  	_ =	swait.ge [sflag:s28], $0x2800  }
.Ltmp0:
0x4c: {  	[sflag:s28] =	ssyncset.done $0x0;
	(pc) =	sbr.rel @p3 .LBB2_2-.Ltmp0, $4  }
0x4d: {  	s14 =	sadd.s32 $0x2800, s16;
	[sflag:s28] =	ssyncadd.s32 $0xFFFFD800  }
0x4e: {  	[spmem:s2] =	stream.indirect.scatter.add.f32 [tilespmem:s25], [sflag:$0x3], $0x80, s14, s23, $0xb8;
	[tilespmem:$0x1F380] =	vst v63  }
0x4f: {  	_ =	swait.ge [sflag:s15], $0x2800  }
0x50: {  	s31 =	sadd.s32 $0xA0, s31;
	[sflag:s15] =	ssyncset.done $0x0  }
0x51: {  	s13 =	sadd.s32 $0xFFFFFFB0, s31;
	[sflag:s15] =	ssyncadd.s32 $0xFFFFD800  }
0x52: {  	[tilespmem:s25], [sflag:$0x2] =	stream.indirect.gather [hbm4b:s4+s23], $0x80, s13, s23, $0xb8;
	[tilespmem:$0x1F380] =	vst v63  }
0x53: {  	_ =	swait.ge [sflag:s26], $0x2800  }
0x54: {  	s1 =	sshra.s32 s1, $0x2;
	[sflag:s26] =	ssyncset.done $0x0  }
0x55: {  	s14 =	sadd.s32 $0x2780, s1;
	[sflag:s26] =	ssyncadd.s32 $0xFFFFD800  }
0x56: {  	[spmem:s2] =	stream.indirect.scatter.add.f32 [tilespmem:s24], [sflag:$0x3], $0x80, s14, s23, $0xb8;
	[tilespmem:$0x1F380] =	vst v63  }
0x57: {  	_ =	swait.ge [sflag:s15], $0x2800  }
0x58: {  	[sflag:s15] =	ssyncset.done $0x0  }
0x59: {  	[sflag:s15] =	ssyncadd.s32 $0xFFFFD800  }
0x5a: {  	[tilespmem:s24], [sflag:$0x1] =	stream.indirect.gather [hbm4b:s4+s23], $0x80, s31, s23, $0xb8;
	[tilespmem:$0x1F380] =	vst v63  }
0x5b: {  	_ =	swait.ge [sflag:s28], $0x2800  }
0x5c: {  	[sflag:s28] =	ssyncset.done $0x0  }
0x5d: {  	s1 =	sadd.s32 $0x2800, s1;
	[sflag:s28] =	ssyncadd.s32 $0xFFFFD800  }
0x5e: {  	[spmem:s2] =	stream.indirect.scatter.add.f32 [tilespmem:s25], [sflag:$0x3], $0x80, s1, s23, $0xb8;
	[tilespmem:$0x1F380] =	vst v63  }
0x5f: {  	_ =	swait.ge [sflag:s15], $0x2800  }
0x60: {  	[sflag:s15] =	ssyncset.done $0x0  }
0x61: {  	[sflag:s15] =	ssyncadd.s32 $0xFFFFD800  }
0x62: {  	_ =	swait.ge [sflag:s26], $0x2800  }
0x63: {  	[sflag:s26] =	ssyncset.done $0x0  }
0x64: {  	[sflag:s26] =	ssyncadd.s32 $0xFFFFD800  }
0x65: {  	[spmem:s2] =	stream.indirect.scatter.add.f32 [tilespmem:s24], [sflag:$0x3], $0x80, s29, s23, $0xb8;
	[tilespmem:$0x1F380] =	vst v63  }
0x66: {  	_ =	swait.ge [sflag:s15], $0x2800  }
0x67: {  	s16 =	sshll.u32 s0, $0x6;
	s30 =	sadd.s32 $0x1, s30;
	[sflag:s15] =	ssyncset.done $0x0  }
0x68: {  	p3 =	sne.s32 s30, s12;
	s31 =	sshrl.u32 s8, $0x3;
	[sflag:s15] =	ssyncadd.s32 $0xFFFFD800  }
.Ltmp1:
0x69: {  	s1 =	sor.u32 $0x1C03, s16;
	[bflag:$0x0] =	sbarrier.arrive $0xFFFF;
	(pc) =	sbr.rel @p3 .LBB2_1-.Ltmp1, $4  }
0x6a: {  	[hbm:s11], [sflag:s1] =	dma.local [spmem:s31], $0x2780  }
0x6b: {  	_ =	swait.ge [sflag:s15], $0x2780  }
0x6c: {  	[sflag:s15] =	ssyncset.done $0x0  }
0x6d: {  	[sflag:s15] =	ssyncadd.s32 $0xFFFFD880  }
0x6e: {  	_ =	sfence.sel $0x180000  }
0x6f: {  	[bflag:$0x0] =	sbarrier.arrive $0xFFFF  }
0x70: {  	_ =	strace $0x9000004D  }
0x71: {  	[bflag:$0x2] =	sbarrier.arrive $0xFFFF  }
0x72: {  	p0 =	sne.s32 s0, $0x0;
	s0 =	rddreg [dreg:$0x2]  }
0x73: {  	s0 =	sadd.s32 @!p0 $0x100000, s0  }
0x74: {  	[sflag:s0] =	ssyncadd.tile.s32 @!p0 $0x1;
	_ =	shalt  }
.Lfunc_end2:
_tile_overlayer_lowered:
.L_overlay_start_2:
0x75: {  	(tag) =	ssettag $0x2  }
0x76: {  	s0 =	rddreg [dreg:$0x0];
	s2 =	stileid.u32  }
0x77: {  	s1 =	rddreg [dreg:$0x1];
	p0 =	sne.s32 s2, $0x0  }
0x78: {  	s3 =	rddreg [dreg:$0x2];
	[bflag:$0x3] =	sbarrier.arrive $0xFFFF;
	s2 =	simm.s32 @!p0 $0x1C03  }
0x79: {  	[timem:s3], [sflag:s2] =	dma.local @!p0 [hbm:s0], s1  }
0x7a: {  	s0 =	simm.s32 @!p0 $0x3  }
0x7b: {  	_ =	swait.ge @!p0 [sflag:s0], s1  }
0x7c: {  	s1 =	ssub.s32 @!p0 $0x0, s1;
	[sflag:s0] =	ssyncset.done @!p0 $0x0  }
0x7d: {  	[sflag:s0] =	ssyncadd.s32 @!p0 s1  }
0x7e: {  	[bflag:$0x3] =	sbarrier.arrive $0xFFFF  }
0x7f: {  	_ =	shalt  }

// kernel: kernel.9.cloned.1.call-start
scs
__scs_entry_jumppad:
0x0: {  	(pc) =	sbr.rel $0x88, $3  }
0x1: {  	(tag) =	ssettag $0x0;
	lr =	simm.s32 $0x1  }
0x2: {  	[smem:$0x3F90] =	sst lr;
	_ =	strace $0xD0000000  }
0x3: {  	_ = 	snop  }
0x4: {  	_ = 	snop  }
0x5: {  	_ = 	snop  }
0x6: {  	_ = 	snop  }
0x7: {  	_ = 	snop  }
__scs_overlays_trampoline_lowered:
0x8: {  	[smem:$0x3F9F] =	sst s0  }
0x9: {  	[smem:$0x3FA0] =	sst s1  }
0xa: {  	[smem:$0x3FA1] =	sst s2  }
0xb: {  	[smem:$0x3FA2] =	sst s3  }
0xc: {  	[smem:$0x3FA3] =	sst s4  }
0xd: {  	[smem:$0x3FA4] =	sst s5  }
0xe: {  	[smem:$0x3FA5] =	sst s6  }
0xf: {  	[smem:$0x3FA6] =	sst s7  }
0x10: {  	[smem:$0x3FA7] =	sst s8  }
0x11: {  	[smem:$0x3FA8] =	sst s9;
	s0 =	simm.s32 @!p0 $0x0  }
0x12: {  	s1 =	sld [smem:$0x3F8E];
	s0 =	simm.s32 @p0 $0x1  }
0x13: {  	[smem:$0x3FA9] =	sst s0;
	s0 =	simm.s32 @!p1 $0x0  }
0x14: {  	s2 =	sld [smem:$0x3F8D];
	s0 =	simm.s32 @p1 $0x1  }
0x15: {  	[smem:$0x3FAA] =	sst s0;
	s0 =	simm.s32 @!p2 $0x0  }
0x16: {  	s3 =	sld [smem:$0x3FDB];
	s0 =	simm.s32 @p2 $0x1  }
0x17: {  	s4 =	simm.s32 $0x1BF5;
	[smem:$0x3FAC] =	sst s0  }
0x18: {  	s0 =	sld [smem:$0x3F8F];
	_ =	swait.ge [sflag:s4], $0x0  }
0x19: {  	s7 =	sld [smem:$0x3F90]  }
0x1a: {  	s8 =	sadd.s32 $0xFFFFE003, lr  }
0x1b: {  	s9 =	sadd.s32 $0xFFFFFEF7, lr;
	s5 =	simm.s32 $0xFFFFFFFF;
	p2 =	slt.u32 s8, $0xFFFFF086  }
0x1c: {  	p1 =	slt.u32 s9, $0xF7A;
	s5 =	simm.s32 @!p2 $0x0  }
0x1d: {  	s5 =	simm.s32 @p1 $0x1;
	p0 =	seq.s32 s7, s2  }
0x1e: {  	s7 =	smul.u32 @!p0 $0xF7A, s2;
	p2 =	seq.s32 @!p0 s5, $0x0  }
0x1f: {  	s9 =	smul.u32 $0xF7A, s1;
	s8 =	simm.s32 @!p0 $0x1BF5;
	p2 =	por !p2, p0  }
0x20: {  	[sflag:s8] =	ssyncset.s32 @!p0 $0xFFFFF086;
	s6 =	sadd.s32 @!p0 s3, s7;
	s7 =	simm.s32 @!p0 $0x108  }
0x21: {  	s3 =	sadd.s32 s3, s9;
	s6 =	sadd.s32 @!p0 $0x88, s6;
	s7 =	simm.s32 @p2 $0x1082  }
0x22: {  	[simem:s7], [sflag:s8] =	dma.local @!p0 [hbm:s6], $0xF7A  }
0x23: {  	s9 =	sor.u32 $0xD0000000, s2;
	s6 =	simm.s32 $0x108;
	_ =	swait.ge @!p0 [sflag:s8], $0x0  }
0x24: {  	s3 =	sadd.s32 $0x88, s3;
	s6 =	simm.s32 @!p1 $0x1082;
	[sflag:s4] =	ssyncset.s32 $0xFFFFF086  }
0x25: {  	[simem:s6], [sflag:s4] =	dma.local [hbm:s3], $0xF7A  }
0x26: {  	[smem:$0x3F90] =	sst s1;
	(tag) =	ssettag s2;
	_ =	strace s9  }
0x27: {  	s1 =	sld [smem:$0x3FA0]  }
0x28: {  	s2 =	sld [smem:$0x3FA1]  }
0x29: {  	s4 =	sld [smem:$0x3FA3]  }
0x2a: {  	p0 =	seq.s32 s5, $0x0;
	s5 =	sld [smem:$0x3FA4]  }
0x2b: {  	s6 =	sld [smem:$0x3FA5]  }
0x2c: {  	s7 =	sld [smem:$0x3FA6]  }
0x2d: {  	s3 =	simm.s32 $0x108;
	s8 =	sld [smem:$0x3FA7]  }
0x2e: {  	s3 =	simm.s32 @!p0 $0x1082;
	s9 =	sld [smem:$0x3FA8]  }
0x2f: {  	lr =	sadd.s32 s0, s3;
	s0 =	sld [smem:$0x3F9F]  }
0x30: {  	s3 =	sld [smem:$0x3FA2]  }
0x31: {  	[smem:$0x3FAB] =	sst s10  }
0x32: {  	s10 =	sld [smem:$0x3FA9];
	_ =	sdelay $0x3  }
0x33: {  	p0 =	seq.s32 s10, $0x1;
	s10 =	sld [smem:$0x3FAB];
	_ =	sdelay $0x3  }
0x34: {  	[smem:$0x3FAB] =	sst s10  }
0x35: {  	s10 =	sld [smem:$0x3FAA];
	_ =	sdelay $0x3  }
0x36: {  	p1 =	seq.s32 s10, $0x1;
	s10 =	sld [smem:$0x3FAB];
	_ =	sdelay $0x3  }
0x37: {  	[smem:$0x3FAB] =	sst s10  }
0x38: {  	s10 =	sld [smem:$0x3FAC]  }
0x39: {  	_ = 	snop;
	(pc) =	sbr.ind lr, $3  }
0x3a: {  	_ = 	snop  }
0x3b: {  	_ = 	snop  }
0x3c: {  	p2 =	seq.s32 s10, $0x1;
	s10 =	sld [smem:$0x3FAB]  }
0x3d: {  	_ =	shalt  }
0x3e: {  	_ =	shalt  }
0x3f: {  	_ =	shalt  }
0x40: {  	_ =	shalt  }
0x41: {  	_ =	shalt  }
0x42: {  	_ =	shalt  }
0x43: {  	_ =	shalt  }
0x44: {  	_ =	shalt  }
0x45: {  	_ =	shalt  }
0x46: {  	_ =	shalt  }
0x47: {  	_ =	shalt  }
0x48: {  	_ =	shalt  }
0x49: {  	_ =	shalt  }
0x4a: {  	_ =	shalt  }
0x4b: {  	_ =	shalt  }
0x4c: {  	_ =	shalt  }
0x4d: {  	_ =	shalt  }
0x4e: {  	_ =	shalt  }
0x4f: {  	_ =	shalt  }
0x50: {  	_ =	shalt  }
0x51: {  	_ =	shalt  }
0x52: {  	_ =	shalt  }
0x53: {  	_ =	shalt  }
0x54: {  	_ =	shalt  }
0x55: {  	_ =	shalt  }
0x56: {  	_ =	shalt  }
0x57: {  	_ =	shalt  }
0x58: {  	_ =	shalt  }
0x59: {  	_ =	shalt  }
0x5a: {  	_ =	shalt  }
0x5b: {  	_ =	shalt  }
0x5c: {  	_ =	shalt  }
0x5d: {  	_ =	shalt  }
0x5e: {  	_ =	shalt  }
0x5f: {  	_ =	shalt  }
0x60: {  	_ =	shalt  }
0x61: {  	_ =	shalt  }
0x62: {  	_ =	shalt  }
0x63: {  	_ =	shalt  }
0x64: {  	_ =	shalt  }
0x65: {  	_ =	shalt  }
0x66: {  	_ =	shalt  }
0x67: {  	_ =	shalt  }
0x68: {  	_ =	shalt  }
0x69: {  	_ =	shalt  }
0x6a: {  	_ =	shalt  }
0x6b: {  	_ =	shalt  }
0x6c: {  	_ =	shalt  }
0x6d: {  	_ =	shalt  }
0x6e: {  	_ =	shalt  }
0x6f: {  	_ =	shalt  }
0x70: {  	_ =	shalt  }
0x71: {  	_ =	shalt  }
0x72: {  	_ =	shalt  }
0x73: {  	_ =	shalt  }
0x74: {  	_ =	shalt  }
0x75: {  	_ =	shalt  }
0x76: {  	_ =	shalt  }
0x77: {  	_ =	shalt  }
0x78: {  	_ =	shalt  }
0x79: {  	_ =	shalt  }
0x7a: {  	_ =	shalt  }
0x7b: {  	_ =	shalt  }
0x7c: {  	_ =	shalt  }
0x7d: {  	_ =	shalt  }
0x7e: {  	_ =	shalt  }
0x7f: {  	_ =	shalt  }
0x80: {  	_ =	shalt  }
0x81: {  	_ =	shalt  }
0x82: {  	_ =	shalt  }
0x83: {  	_ =	shalt  }
0x84: {  	_ =	shalt  }
0x85: {  	_ =	shalt  }
0x86: {  	_ =	shalt  }
0x87: {  	_ =	shalt  }
.Lfunc_end0:
.L_simem_size_0:
called_computation_lowered:
.L_overlay_start_0:
0x88: {  	s2 =	sld [smem:$0x3FD9]  }
0x89: {  	s3 =	sld [smem:$0x3FFE];
	_ =	sdelay $0x1  }
0x8a: {  	s1 =	srdreg.scid  }
0x8b: {  	s0 =	sand.u32 $0x1, s1  }
0x8c: {  	s16 =	sshll.u32 s0, $0xA;
	s2 =	sadd.s32 s3, s2  }
0x8d: {  	s2 =	sadd.s32 s2, s16  }
0x8e: {  	[smem:$0x3FB7] =	sst s2  }
0x8f: {  	_ = 	snop  }
0x90: {  	(tm) =	ssettm $0x1  }
0x91: {  	s17 =	sld [smem:$0x3FFB];
	_ =	sdelay $0x3  }
0x92: {  	_ =	strace s17  }
0x93: {  	s2 =	sld [smem:$0x3FFC];
	_ =	sdelay $0x3  }
0x94: {  	_ =	strace s2  }
0x95: {  	s2 =	sld [smem:$0x3FFD];
	_ =	sdelay $0x3  }
0x96: {  	_ =	strace s2  }
0x97: {  	_ =	strace $0x8FFFFFFF  }
0x98: {  	s18 =	sld [smem:$0x3FDB];
	_ =	sdelay $0x1  }
0x99: {  	s19 =	simm.s32 $_scs_section_size  }
0x9a: {  	s4 =	simm.s32 $_size__tile_overlayer_lowered;
	s5 =	simm.s32 $_tile_overlayer_lowered  }
0x9b: {  	s22 =	simm.s32 $0x1BFF;
	s21 =	sshll.u32 s5, $0x1;
	s2 =	sadd.s32 s19, s18  }
0x9c: {  	s6 =	simm.s32 $0x0;
	s20 =	sshll.u32 s4, $0x1;
	s4 =	sadd.s32 s21, s2  }
0x9d: {  	[timem:s6], [sflag:s22] =	dma.local [hbm:s4], s20  }
0x9e: {  	_ =	swait.ge [sflag:s22], s20  }
0x9f: {  	s3 =	ssub.s32 $0x0, s20;
	[sflag:s22] =	ssyncset.done $0x0  }
0xa0: {  	[sflag:s22] =	ssyncadd.s32 s3;
	_ =	sdelay $0x1  }
0xa1: {  	s23 =	simm.s32 $0x1B8B  }
0xa2: {  	_ =	swait.ge [sflag:s23], $0x1  }
0xa3: {  	[sflag:s23] =	ssyncset.done $0x0  }
0xa4: {  	s25 =	simm.s32 $0x1B8E;
	s24 =	sld [smem:$0x3FFE];
	[sflag:s23] =	ssyncadd.s32 $0xFFFFFFFF  }
0xa5: {  	s26 =	simm.s32 $execute0_lowered;
	[smem:$0x3FD2] =	sst s25  }
0xa6: {  	s4 =	sshll.u32 s26, $0x1;
	_ =	strace $0x80000046;
	[dreg:$0x1] =	wrdreg $0xFFFFFFFF  }
0xa7: {  	s28 =	simm.s32 $_size_execute0_lowered;
	s2 =	sadd.s32 s2, s4;
	[dreg:$0x0] =	wrdreg $0x0  }
0xa8: {  	s4 =	sshll.u32 s28, $0x1;
	[dreg:$0x2] =	wrdreg s2  }
0xa9: {  	[dreg:$0x3] =	wrdreg s4  }
0xaa: {  	[dreg:$0x4] =	wrdreg $0xC0  }
0xab: {  	_ =	task [dreg:s6], $0x5FFFF  }
0xac: {  	[dreg:$0x1] =	wrdreg $0xFFFFFFFF  }
0xad: {  	[dreg:$0x0] =	wrdreg $0x60  }
0xae: {  	[dreg:$0x2] =	wrdreg s24  }
0xaf: {  	[dreg:$0x3] =	wrdreg $0xB7800  }
0xb0: {  	[dreg:$0x4] =	wrdreg $0x9  }
0xb1: {  	_ =	task.clear_ibuf [dreg:s6], $0x5FFFF;
	_ =	strace $0x90000046  }
0xb2: {  	s29 =	simm.s32 $0x9;
	_ =	strace $0x80000048  }
0xb3: {  	_ =	swait.ge [sflag:s29], $0x1  }
0xb4: {  	[sflag:s29] =	ssyncadd.s32 $0xFFFFFFFF  }
0xb5: {  	_ =	strace $0x90000048  }
0xb6: {  	_ =	sfence  }
0xb7: {  	s30 =	sld [smem:$0x0];
	_ =	sdelay $0x2  }
0xb8: {  	s31 =	sshll.u32 s1, $0xD;
	s1 =	sshrl.u32 s1, $0x2  }
0xb9: {  	s3 =	sand.u32 $0x4000, s31;
	s1 =	sadd.s32 s1, s30  }
0xba: {  	s0 =	sor.u32 s3, s0;
	s1 =	sshll.u32 s1, $0x11  }
0xbb: {  	s0 =	sor.u32 s1, s0  }
0xbc: {  	s0 =	sadd.s32 $0x8F2B, s0  }
0xbd: {  	[sflag:s0] =	ssyncadd.remote.s32 $0x1  }
0xbe: {  	_ =	sfence.sel $0xFFFF  }
0xbf: {  	[dreg:$0x0] =	wrdreg $0xFFFFFFFF;
	(pc) =	sbr.abs _section_cstart, $3  }
0xc0: {  	[dreg:$0x1] =	wrdreg $0xFFFFFFFF  }
0xc1: {  	_ =	task.clear_ibuf [dreg:s6], $0x2FFFF;
	_ =	strace $0x9FFFFFFF  }
0xc2: {  	(tm) =	ssettm $0x7FFFFFFF  }
0xc3: {  	_ =	shalt  }
tec
execute0_lowered:
.L_overlay_start_1:
0x0: {  	(tag) =	ssettag $0x1  }
0x1: {  	s10 =	rddreg [dreg:$0x0]  }
0x2: {  	s0 =	srdreg.scid;
	s2 =	rddreg [dreg:$0x1];
	s15 =	simm.s32 $0x3  }
0x3: {  	s23 =	simm.s32 $0x50;
	s28 =	simm.s32 $0x2;
	s1 =	sand.u32 $0x1, s0  }
0x4: {  	s29 =	simm.s32 $0x6580;
	s0 =	stileid.u32;
	s24 =	smul.u32 $0x13C000, s1  }
0x5: {  	s30 =	simm.s32 $0x0;
	s20 =	sadd.s32 $0x138800, s2;
	s8 =	smul.u32 $0x13C00, s0  }
0x6: {  	s3 =	sshll.u32 s1, $0x4;
	s6 =	sshll.u32 s0, $0x7;
	s12 =	smul.u32 $0x4F000, s0  }
0x7: {  	s25 =	ssub.s32 $0x2, s1;
	s31 =	smul.u32 $0x2780, s0;
	p0 =	seq.s32 s1, $0x1  }
0x8: {  	s1 =	sadd.s32 $0x128400, s2;
	s4 =	sor.u32 s0, s3;
	s3 =	simm.s32 $0x0  }
0x9: {  	s6 =	sand.u32 $0x380, s6;
	s11 =	sshrl.u32 s25, $0x1;
	p2 =	seq.s32 @!p0 s0, $0xF  }
0xa: {  	s5 =	sshrl.u32 s4, $0x3;
	[smem:$0x7FF] =	sst s3;
	s7 =	sshll.u32 s4, $0xB  }
0xb: {  	s4 =	sadd.s32 $0x1CE00, s10;
	s14 =	ssub.s32 s25, s11;
	s26 =	sshrl.u32 s12, $0x2  }
0xc: {  	p1 =	por !p2, p0;
	p2 =	por p2, p0;
	s25 =	simm.s32 $0x8F80  }
0xd: {  	s5 =	smul.u32 $0x13C00, s5;
	_ =	strace $0x80000047;
	s7 =	sadd.s32 s7, s10  }
0xe: {  	s12 =	smax.u32 s14, $0x1;
	s19 =	sshrl.u32 @!p1 s1, $0x3;
	s1 =	sshll.u32 @!p2 s0, $0x6  }
0xf: {  	s20 =	sshrl.u32 @!p1 s20, $0x3;
	s7 =	sadd.s32 $0x3000, s7;
	s21 =	sor.u32 @!p2 $0x1C03, s1  }
0x10: {  	s5 =	sor.u32 s6, s5;
	s6 =	sadd.s32 s8, s24;
	s8 =	sadd.s32 s26, s2  }
0x11: {  	s24 =	simm.s32 $0x6780;
	s26 =	simm.s32 $0x1;
	s5 =	sshrl.u32 s5, $0x3  }
0x12: {  	s6 =	sshrl.u32 s6, $0x3;
	s18 =	sshrl.u32 @p0 s8, $0x3;
	s22 =	sshrl.u32 @!p2 s8, $0x3  }
0x13: {  	s9 =	sadd.s32 s5, s10;
	s5 =	sadd.s32 $0x44000, s10;
	s13 =	sadd.s32 s6, s10  }
0x14: {  	s10 =	sadd.s32 $0x41E80, s10;
	s11 =	sadd.s32 $0x46800, s13;
	s13 =	sshll.u32 @p0 s0, $0x6  }
0x15: {  	s6 =	sadd.s32 $0x13000, s9;
	s9 =	sadd.s32 s4, s31;
	s17 =	sor.u32 @p0 $0x1C03, s13  }
.LBB2_1:
0x16: {  	s1 =	simm.s32 $0x80;
	s13 =	simm.s32 $0x400  }
0x17: {  	[tilespmem:s3], [sflag:$0x3] =	stream.strided.gather [hbm4b:s6+s1], $0x2780, s13, s1, $0x38;
	[tilespmem:$0x1F380] =	vst v63  }
0x18: {  	_ =	swait.ge [sflag:s15], $0x2780  }
0x19: {  	[sflag:s15] =	ssyncset.done $0x0  }
0x1a: {  	s14 =	simm.s32 $0x2780;
	[sflag:s15] =	ssyncadd.s32 $0xFFFFD880  }
0x1b: {  	[tilespmem:s14], [sflag:$0x3] =	stream.linear.gather [hbm4b:s7+s3], $0x3E80, $0x38;
	[tilespmem:$0x1F380] =	vst v63  }
0x1c: {  	_ =	swait.ge [sflag:s15], $0x3E80  }
0x1d: {  	[sflag:s15] =	ssyncset.done $0x0  }
0x1e: {  	s1 =	simm.s32 @p0 $0x3;
	[sflag:s15] =	ssyncadd.s32 $0xFFFFC180  }
0x1f: {  	[spmem:s18], [sflag:s17] =	dma.local @p0 [hbm:s5], $0x2780  }
0x20: {  	_ =	swait.ge @p0 [sflag:s1], $0x2780  }
0x21: {  	[sflag:s1] =	ssyncset.done @p0 $0x0  }
0x22: {  	s13 =	simm.s32 @!p1 $0x3;
	[sflag:s1] =	ssyncadd.s32 @p0 $0xFFFFD880;
	s1 =	simm.s32 @!p1 $0x1FC3  }
0x23: {  	[spmem:s19], [sflag:s1] =	dma.local @!p1 [hbm:s10], $0x2080  }
0x24: {  	_ =	swait.ge @!p1 [sflag:s13], $0x2080  }
0x25: {  	[sflag:s13] =	ssyncset.done @!p1 $0x0  }
0x26: {  	[sflag:s13] =	ssyncadd.s32 @!p1 $0xFFFFDF80  }
0x27: {  	[spmem:s20], [sflag:s1] =	dma.local @!p1 [hbm:s5], $0x700  }
0x28: {  	_ =	swait.ge @!p1 [sflag:s13], $0x700  }
0x29: {  	[sflag:s13] =	ssyncset.done @!p1 $0x0  }
0x2a: {  	s1 =	simm.s32 @!p2 $0x3;
	[sflag:s13] =	ssyncadd.s32 @!p1 $0xFFFFF900  }
0x2b: {  	[spmem:s22], [sflag:s21] =	dma.local @!p2 [hbm:s9], $0x2780  }
0x2c: {  	_ =	swait.ge @!p2 [sflag:s1], $0x2780  }
0x2d: {  	[sflag:s1] =	ssyncset.done @!p2 $0x0  }
0x2e: {  	[sflag:s1] =	ssyncadd.s32 @!p2 $0xFFFFD880  }
0x2f: {  	[bflag:$0x0] =	sbarrier.arrive $0xFFFF  }
0x30: {  	[tilespmem:s24], [sflag:$0x1] =	stream.indirect.gather [hbm4b:s4+s23], $0x80, s3, s23, $0xb8;
	[tilespmem:$0x1F380] =	vst v63  }
0x31: {  	s16 =	simm.s32 $0x50  }
0x32: {  	[tilespmem:s25], [sflag:$0x2] =	stream.indirect.gather [hbm4b:s4+s23], $0x80, s16, s23, $0xb8;
	[tilespmem:$0x1F380] =	vst v63  }
0x33: {  	_ =	swait.ge [sflag:s26], $0x2800  }
0x34: {  	[sflag:s26] =	ssyncset.done $0x0  }
0x35: {  	s13 =	simm.s32 $0x2780;
	[sflag:s26] =	ssyncadd.s32 $0xFFFFD800  }
0x36: {  	[spmem:s2] =	stream.indirect.scatter.add.f32 [tilespmem:s24], [sflag:$0x3], $0x80, s13, s23, $0xb8;
	[tilespmem:$0x1F380] =	vst v63  }
0x37: {  	_ =	swait.ge [sflag:s15], $0x2800  }
0x38: {  	[sflag:s15] =	ssyncset.done $0x0  }
0x39: {  	s14 =	simm.s32 $0xA0;
	[sflag:s15] =	ssyncadd.s32 $0xFFFFD800  }
0x3a: {  	[tilespmem:s24], [sflag:$0x1] =	stream.indirect.gather [hbm4b:s4+s23], $0x80, s14, s23, $0xb8;
	[tilespmem:$0x1F380] =	vst v63  }
0x3b: {  	_ =	swait.ge [sflag:s28], $0x2800  }
0x3c: {  	[sflag:s28] =	ssyncset.done $0x0  }
0x3d: {  	s16 =	simm.s32 $0x2800;
	[sflag:s28] =	ssyncadd.s32 $0xFFFFD800  }
0x3e: {  	[spmem:s2] =	stream.indirect.scatter.add.f32 [tilespmem:s25], [sflag:$0x3], $0x80, s16, s23, $0xb8;
	[tilespmem:$0x1F380] =	vst v63  }
0x3f: {  	s31 =	simm.s32 $0x140;
	_ =	swait.ge [sflag:s15], $0x2800  }
0x40: {  	s1 =	simm.s32 $0x400;
	s13 =	simm.s32 $0x800;
	[sflag:s15] =	ssyncset.done $0x0  }
.LBB2_2:
0x41: {  	p3 =	sne.s32 s13, $0xF400;
	s14 =	sadd.s32 $0xFFFFFFB0, s31;
	[sflag:s15] =	ssyncadd.s32 $0xFFFFD800  }
0x42: {  	[tilespmem:s25], [sflag:$0x2] =	stream.indirect.gather [hbm4b:s4+s23], $0x80, s14, s23, $0xb8;
	[tilespmem:$0x1F380] =	vst v63  }
0x43: {  	s14 =	smov.u32 s13;
	s13 =	sadd.s32 $0x400, s13;
	_ =	swait.ge [sflag:s26], $0x2800  }
0x44: {  	s16 =	sshra.s32 s1, $0x2;
	s1 =	smov.u32 s14;
	[sflag:s26] =	ssyncset.done $0x0  }
0x45: {  	s14 =	sadd.s32 $0x2780, s16;
	[sflag:s26] =	ssyncadd.s32 $0xFFFFD800  }
0x46: {  	[spmem:s2] =	stream.indirect.scatter.add.f32 [tilespmem:s24], [sflag:$0x3], $0x80, s14, s23, $0xb8;
	[tilespmem:$0x1F380] =	vst v63  }
0x47: {  	_ =	swait.ge [sflag:s15], $0x2800  }
0x48: {  	[sflag:s15] =	ssyncset.done $0x0  }
0x49: {  	[sflag:s15] =	ssyncadd.s32 $0xFFFFD800  }
0x4a: {  	[tilespmem:s24], [sflag:$0x1] =	stream.indirect.gather [hbm4b:s4+s23], $0x80, s31, s23, $0xb8;
	[tilespmem:$0x1F380] =	vst v63  }
0x4b: {  	_ =	swait.ge [sflag:s28], $0x2800  }
.Ltmp0:
0x4c: {  	[sflag:s28] =	ssyncset.done $0x0;
	(pc) =	sbr.rel @p3 .LBB2_2-.Ltmp0, $4  }
0x4d: {  	s14 =	sadd.s32 $0x2800, s16;
	[sflag:s28] =	ssyncadd.s32 $0xFFFFD800  }
0x4e: {  	[spmem:s2] =	stream.indirect.scatter.add.f32 [tilespmem:s25], [sflag:$0x3], $0x80, s14, s23, $0xb8;
	[tilespmem:$0x1F380] =	vst v63  }
0x4f: {  	_ =	swait.ge [sflag:s15], $0x2800  }
0x50: {  	s31 =	sadd.s32 $0xA0, s31;
	[sflag:s15] =	ssyncset.done $0x0  }
0x51: {  	s13 =	sadd.s32 $0xFFFFFFB0, s31;
	[sflag:s15] =	ssyncadd.s32 $0xFFFFD800  }
0x52: {  	[tilespmem:s25], [sflag:$0x2] =	stream.indirect.gather [hbm4b:s4+s23], $0x80, s13, s23, $0xb8;
	[tilespmem:$0x1F380] =	vst v63  }
0x53: {  	_ =	swait.ge [sflag:s26], $0x2800  }
0x54: {  	s1 =	sshra.s32 s1, $0x2;
	[sflag:s26] =	ssyncset.done $0x0  }
0x55: {  	s14 =	sadd.s32 $0x2780, s1;
	[sflag:s26] =	ssyncadd.s32 $0xFFFFD800  }
0x56: {  	[spmem:s2] =	stream.indirect.scatter.add.f32 [tilespmem:s24], [sflag:$0x3], $0x80, s14, s23, $0xb8;
	[tilespmem:$0x1F380] =	vst v63  }
0x57: {  	_ =	swait.ge [sflag:s15], $0x2800  }
0x58: {  	[sflag:s15] =	ssyncset.done $0x0  }
0x59: {  	[sflag:s15] =	ssyncadd.s32 $0xFFFFD800  }
0x5a: {  	[tilespmem:s24], [sflag:$0x1] =	stream.indirect.gather [hbm4b:s4+s23], $0x80, s31, s23, $0xb8;
	[tilespmem:$0x1F380] =	vst v63  }
0x5b: {  	_ =	swait.ge [sflag:s28], $0x2800  }
0x5c: {  	[sflag:s28] =	ssyncset.done $0x0  }
0x5d: {  	s1 =	sadd.s32 $0x2800, s1;
	[sflag:s28] =	ssyncadd.s32 $0xFFFFD800  }
0x5e: {  	[spmem:s2] =	stream.indirect.scatter.add.f32 [tilespmem:s25], [sflag:$0x3], $0x80, s1, s23, $0xb8;
	[tilespmem:$0x1F380] =	vst v63  }
0x5f: {  	_ =	swait.ge [sflag:s15], $0x2800  }
0x60: {  	[sflag:s15] =	ssyncset.done $0x0  }
0x61: {  	[sflag:s15] =	ssyncadd.s32 $0xFFFFD800  }
0x62: {  	_ =	swait.ge [sflag:s26], $0x2800  }
0x63: {  	[sflag:s26] =	ssyncset.done $0x0  }
0x64: {  	[sflag:s26] =	ssyncadd.s32 $0xFFFFD800  }
0x65: {  	[spmem:s2] =	stream.indirect.scatter.add.f32 [tilespmem:s24], [sflag:$0x3], $0x80, s29, s23, $0xb8;
	[tilespmem:$0x1F380] =	vst v63  }
0x66: {  	_ =	swait.ge [sflag:s15], $0x2800  }
0x67: {  	s16 =	sshll.u32 s0, $0x6;
	s30 =	sadd.s32 $0x1, s30;
	[sflag:s15] =	ssyncset.done $0x0  }
0x68: {  	p3 =	sne.s32 s30, s12;
	s31 =	sshrl.u32 s8, $0x3;
	[sflag:s15] =	ssyncadd.s32 $0xFFFFD800  }
.Ltmp1:
0x69: {  	s1 =	sor.u32 $0x1C03, s16;
	[bflag:$0x0] =	sbarrier.arrive $0xFFFF;
	(pc) =	sbr.rel @p3 .LBB2_1-.Ltmp1, $4  }
0x6a: {  	[hbm:s11], [sflag:s1] =	dma.local [spmem:s31], $0x2780  }
0x6b: {  	_ =	swait.ge [sflag:s15], $0x2780  }
0x6c: {  	[sflag:s15] =	ssyncset.done $0x0  }
0x6d: {  	[sflag:s15] =	ssyncadd.s32 $0xFFFFD880  }
0x6e: {  	_ =	sfence.sel $0x180000  }
0x6f: {  	[bflag:$0x0] =	sbarrier.arrive $0xFFFF  }
0x70: {  	_ =	strace $0x90000047  }
0x71: {  	[bflag:$0x2] =	sbarrier.arrive $0xFFFF  }
0x72: {  	p0 =	sne.s32 s0, $0x0;
	s0 =	rddreg [dreg:$0x2]  }
0x73: {  	s0 =	sadd.s32 @!p0 $0x100000, s0  }
0x74: {  	[sflag:s0] =	ssyncadd.tile.s32 @!p0 $0x1;
	_ =	shalt  }
.Lfunc_end2:
_tile_overlayer_lowered:
.L_overlay_start_2:
0x75: {  	(tag) =	ssettag $0x2  }
0x76: {  	s0 =	rddreg [dreg:$0x0];
	s2 =	stileid.u32  }
0x77: {  	s1 =	rddreg [dreg:$0x1];
	p0 =	sne.s32 s2, $0x0  }
0x78: {  	s3 =	rddreg [dreg:$0x2];
	[bflag:$0x3] =	sbarrier.arrive $0xFFFF;
	s2 =	simm.s32 @!p0 $0x1C03  }
0x79: {  	[timem:s3], [sflag:s2] =	dma.local @!p0 [hbm:s0], s1  }
0x7a: {  	s0 =	simm.s32 @!p0 $0x3  }
0x7b: {  	_ =	swait.ge @!p0 [sflag:s0], s1  }
0x7c: {  	s1 =	ssub.s32 @!p0 $0x0, s1;
	[sflag:s0] =	ssyncset.done @!p0 $0x0  }
0x7d: {  	[sflag:s0] =	ssyncadd.s32 @!p0 s1  }
0x7e: {  	[bflag:$0x3] =	sbarrier.arrive $0xFFFF  }
0x7f: {  	_ =	shalt  }

</sc_bundles>
